<compile_context>
chip_gen: v7x
topology: tpu7x:2x2x1
jax: 0.10.2.dev20260603
libtpu: 0.0.44.dev20260713+nightly
codegen_flags: <defaults>
</compile_context>

<pallas_src>
import jax
import jax.numpy as jnp
from jax import lax
from jax.experimental import pallas as pl
from jax.experimental.pallas import tpu as pltpu
from jax.experimental.pallas import tpu_sc as plsc

N = 10000
NP = 10240
E = 160000
EP = 163840
D = 256
DH = 128
NT = 16
CHUNK = 128
NCH = EP // NT // CHUNK
NCH_DEG = EP // (2 * NT) // CHUNK
RPT = NP // NT
SEG = 40
NSEG = NCH // SEG

_sc_mesh = plsc.VectorSubcoreMesh(core_axis_name="c", subcore_axis_name="s")


def _deg_body(col_hbm, deg_hbm, idx_col, ones_v, zb, acc):
    cid = lax.axis_index("c")
    sid = lax.axis_index("s")
    wid = cid * NT + sid
    pltpu.sync_copy(col_hbm.at[wid], idx_col)

    def fill(r, _):
        ones_v[r, pl.ds(0, 16)] = jnp.ones((16,), jnp.float32)
        zb[r, pl.ds(0, 16)] = jnp.zeros((16,), jnp.float32)
        return 0

    lax.fori_loop(0, CHUNK, fill, 0)
    for k in range(RPT // CHUNK):
        pltpu.sync_copy(zb, acc.at[pl.ds(sid * RPT + k * CHUNK, CHUNK)])
    plsc.subcore_barrier()

    def body(g, _):
        pltpu.sync_copy(ones_v, acc.at[idx_col.at[g]], add=True)
        return 0

    lax.fori_loop(0, NCH_DEG, body, 0)
    plsc.subcore_barrier()
    pltpu.sync_copy(acc.at[pl.ds(sid * RPT, RPT)],
                    deg_hbm.at[pl.ds(cid * NP + sid * RPT, RPT)])


_deg_call = pl.kernel(
    _deg_body,
    out_type=jax.ShapeDtypeStruct((2 * NP, 16), jnp.float32),
    mesh=_sc_mesh,
    scratch_types=[
        pltpu.VMEM((NCH_DEG, CHUNK), jnp.int32),
        pltpu.VMEM((CHUNK, 16), jnp.float32),
        pltpu.VMEM((CHUNK, 16), jnp.float32),
        pltpu.VMEM_SHARED((NP, 16), jnp.float32),
    ],
)


def _segsum_body(y_hbm, row_hbm, col_hbm, out_hbm,
                 idx_row, idx_col, b0, b1, acc, g0, g1, s0, s1):
    cid = lax.axis_index("c")
    sid = lax.axis_index("s")
    wid = cid * NT + sid

    def fill(r, _):
        for j in range(DH // 16):
            b0[r, pl.ds(j * 16, 16)] = jnp.zeros((16,), jnp.float32)
        return 0

    lax.fori_loop(0, CHUNK, fill, 0)
    for k in range(RPT // CHUNK):
        pltpu.sync_copy(b0, acc.at[pl.ds(sid * RPT + k * CHUNK, CHUNK)])
    plsc.subcore_barrier()

    def gath(c, buf, gsem):
        return pltpu.async_copy(y_hbm.at[idx_row.at[c]], buf, gsem)

    def scat(c, buf, ssem):
        return pltpu.async_copy(buf, acc.at[idx_col.at[c]], ssem, add=True)

    def seg(si, _):
        pltpu.sync_copy(row_hbm.at[wid, pl.ds(si * SEG, SEG)], idx_row)
        pltpu.sync_copy(col_hbm.at[sid, pl.ds(si * SEG, SEG)], idx_col)

        def pair(k, _):
            c = 2 * k
            cp0 = gath(c, b0, g0)
            cp1 = gath(c + 1, b1, g1)
            cp0.wait()
            pltpu.sync_copy(b0, acc.at[idx_col.at[c]], add=True)
            cp1.wait()
            pltpu.sync_copy(b1, acc.at[idx_col.at[c + 1]], add=True)
            return 0

        lax.fori_loop(0, SEG // 2, pair, 0)
        return 0

    lax.fori_loop(0, NSEG, seg, 0)
    plsc.subcore_barrier()
    pltpu.sync_copy(acc.at[pl.ds(sid * RPT, RPT)],
                    out_hbm.at[pl.ds(cid * NP + sid * RPT, RPT)])


_segsum_call = pl.kernel(
    _segsum_body,
    out_type=jax.ShapeDtypeStruct((2 * NP, DH), jnp.float32),
    mesh=_sc_mesh,
    scratch_types=(
        [pltpu.VMEM((SEG, CHUNK), jnp.int32)] * 2
        + [pltpu.VMEM((CHUNK, DH), jnp.float32)] * 2
        + [pltpu.VMEM_SHARED((NP, DH), jnp.float32)]
        + [pltpu.SemaphoreType.DMA] * 4
    ),
)


R = 2000
_NB = N // R


def _scales(d0, d1):
    deg = d0[:, :1] + d1[:, :1] + 1.0
    dis = lax.rsqrt(deg)
    return dis, 1.0 / deg


def _mmA_body(d0, d1, x, w, b, y_out, a_out):
    dis, inv = _scales(d0[...], d1[...])
    xw = jnp.dot(x[...], w[...], preferred_element_type=jnp.float32)
    y_out[0] = dis * xw[:, :DH]
    y_out[1] = dis * xw[:, DH:]
    a_out[...] = inv * xw + b[...]


def _mmB_body(d0, d1, s, a1, w, b, y_out, a_out):
    dis, inv = _scales(d0[...], d1[...])
    h = dis * jnp.concatenate([s[0], s[1]], axis=1) + a1[...]
    h = jnp.maximum(h, 0.0)
    xw = jnp.dot(h, w[...], preferred_element_type=jnp.float32)
    y_out[0] = dis * xw[:, :DH]
    y_out[1] = dis * xw[:, DH:]
    a_out[...] = inv * xw + b[...]


def _mmC_body(d0, d1, s, a2, out):
    dis, _ = _scales(d0[...], d1[...])
    out[...] = dis * jnp.concatenate([s[0], s[1]], axis=1) + a2[...]


_deg_spec = pl.BlockSpec((R, 16), lambda i: (i, 0))
_deg1_spec = pl.BlockSpec((R, 16), lambda i: (i, 0))
_row_spec = pl.BlockSpec((R, D), lambda i: (i, 0))
_half_spec = pl.BlockSpec((2, R, DH), lambda i: (0, i, 0))
_w_spec = pl.BlockSpec((D, D), lambda i: (0, 0))
_b_spec = pl.BlockSpec((D,), lambda i: (0,))

_mmA_call = pl.pallas_call(
    _mmA_body,
    grid=(_NB,),
    in_specs=[_deg_spec, _deg1_spec, _row_spec, _w_spec, _b_spec],
    out_specs=[_half_spec, _row_spec],
    out_shape=[jax.ShapeDtypeStruct((2, NP, DH), jnp.float32),
               jax.ShapeDtypeStruct((N, D), jnp.float32)],
)

_mmB_call = pl.pallas_call(
    _mmB_body,
    grid=(_NB,),
    in_specs=[_deg_spec, _deg1_spec, _half_spec, _row_spec, _w_spec, _b_spec],
    out_specs=[_half_spec, _row_spec],
    out_shape=[jax.ShapeDtypeStruct((2, NP, DH), jnp.float32),
               jax.ShapeDtypeStruct((N, D), jnp.float32)],
)

_mmC_call = pl.pallas_call(
    _mmC_body,
    grid=(_NB,),
    in_specs=[_deg_spec, _deg1_spec, _half_spec, _row_spec],
    out_specs=_row_spec,
    out_shape=jax.ShapeDtypeStruct((N, D), jnp.float32),
)


@jax.jit
def kernel(x, edge_index, W1, b1, W2, b2):
    row = edge_index[0].astype(jnp.int32)
    col = edge_index[1].astype(jnp.int32)
    pad = EP - E
    pr = jnp.arange(pad, dtype=jnp.int32)
    row_p = jnp.concatenate([row, pr % N])
    col_p = jnp.concatenate([col, N + pr % (NP - N)])
    col_deg = col_p.reshape(2 * NT, NCH_DEG, CHUNK)
    col_seg = col_p.reshape(NT, NCH, CHUNK)
    row2 = jnp.stack([row_p, row_p + NP]).reshape(2 * NT, NCH, CHUNK)

    deg2 = _deg_call(col_deg)
    d0 = deg2[:N]
    d1 = deg2[NP:NP + N]

    y1, a1 = _mmA_call(d0, d1, x, W1, b1)
    s1 = _segsum_call(y1.reshape(2 * NP, DH), row2, col_seg)
    y2, a2 = _mmB_call(d0, d1, s1.reshape(2, NP, DH), a1, W2, b2)
    s2 = _segsum_call(y2.reshape(2 * NP, DH), row2, col_seg)
    return _mmC_call(d0, d1, s2.reshape(2, NP, DH), a2)

# --- scband reference (transcript-rebuilt; emitter-appended) ---
"""Pipeline reference for scband-gcn-80041010528408 (READ-ONLY COPY).

The authoritative reference and input builder live on the scoring server;
editing this copy changes nothing except your own understanding.
"""

import jax, jax.numpy as jnp
import numpy as np

N_NODES = 10000
N_EDGES = 160000
D_IN = 256
D_HID = 256
D_OUT = 256


def setup_inputs(seed: int = 0) -> dict:
    key = jax.random.key(seed)
    k1, k2, k3, k4 = jax.random.split(key, 4)
    x = jax.random.normal(k1, (N_NODES, D_IN), dtype=jnp.float32)
    edge_index = jax.random.randint(k2, (2, N_EDGES), 0, N_NODES, dtype=jnp.int64)
    # GCNConv linear weights (glorot-like scaling), biases zero-init like PyG
    W1 = jax.random.normal(k3, (D_IN, D_HID), dtype=jnp.float32) * (1.0 / np.sqrt(D_IN))
    b1 = jnp.zeros((D_HID,), dtype=jnp.float32)
    W2 = jax.random.normal(k4, (D_HID, D_OUT), dtype=jnp.float32) * (1.0 / np.sqrt(D_HID))
    b2 = jnp.zeros((D_OUT,), dtype=jnp.float32)
    return {"x": x, "edge_index": edge_index, "W1": W1, "b1": b1, "W2": W2, "b2": b2}


def _gcn_conv(x, row, col, W, b, n):
    # add self loops
    loop = jnp.arange(n, dtype=row.dtype)
    row_sl = jnp.concatenate([row, loop])
    col_sl = jnp.concatenate([col, loop])
    ew = jnp.ones(row_sl.shape[0], dtype=x.dtype)
    # symmetric normalization (gcn_norm): deg over target (col) indices
    deg = jax.ops.segment_sum(ew, col_sl, num_segments=n)
    deg_inv_sqrt = jnp.where(deg > 0, 1.0 / jnp.sqrt(deg), 0.0)
    norm = deg_inv_sqrt[row_sl] * ew * deg_inv_sqrt[col_sl]
    xw = x @ W
    msg = jnp.take(xw, row_sl, axis=0) * norm[:, None]
    out = jax.ops.segment_sum(msg, col_sl, num_segments=n)
    return out + b


def reference(x, edge_index, W1, b1, W2, b2):
    n = x.shape[0]
    row, col = edge_index[0], edge_index[1]
    h = _gcn_conv(x, row, col, W1, b1, n)
    h = jax.nn.relu(h)
    # dropout is identity in eval mode (self.training == False)
    out = _gcn_conv(h, row, col, W2, b2, n)
    return out

if __name__ == "__main__":
    import jax
    _d = setup_inputs()
    print(jax.jit(kernel)(*tuple(_d.values())))

</pallas_src>

<mosaic_0001>
#map = affine_map<(d0, d1) -> (0, 0)>
#map1 = affine_map<(d0, d1) -> (0, 0, 0)>
module attributes {stable_mosaic.version = 14 : i64} {
  func.func @_segsum_body(%arg0: i32, %arg1: i32, %arg2: memref<20480x128xf32, #tpu.memory_space<hbm>>, %arg3: memref<32x80x128xi32, #tpu.memory_space<hbm>>, %arg4: memref<16x80x128xi32, #tpu.memory_space<hbm>>, %arg5: memref<20480x128xf32, #tpu.memory_space<hbm>>, %arg6: memref<40x128xi32, #tpu.memory_space<vmem>>, %arg7: memref<40x128xi32, #tpu.memory_space<vmem>>, %arg8: memref<128x128xf32, #tpu.memory_space<vmem>>, %arg9: memref<128x128xf32, #tpu.memory_space<vmem>>, %arg10: memref<10240x128xf32, #tpu.memory_space<vmem_shared>>, %arg11: memref<!tpu.dma_semaphore, #tpu.memory_space<semaphore_mem>>, %arg12: memref<!tpu.dma_semaphore, #tpu.memory_space<semaphore_mem>>, %arg13: memref<!tpu.dma_semaphore, #tpu.memory_space<semaphore_mem>>, %arg14: memref<!tpu.dma_semaphore, #tpu.memory_space<semaphore_mem>>) attributes {dimension_semantics = [#tpu.dimension_semantics<core_parallel>, #tpu.dimension_semantics<subcore_parallel>], iteration_bounds = array<i64: 2, 16>, scalar_prefetch = 0 : i64, scratch_operands = 9 : i64, tpu.core_type = #tpu.core_type<sc_vector_subcore>, window_params = [{transform_indices = #map}, {transform_indices = #map1}, {transform_indices = #map1}, {transform_indices = #map}]} {
    %mul3A = arith.constant 16 : i32
    %mul3A_0 = arith.muli %arg0, %mul3A : i32
    %add3A = arith.addi %mul3A_0, %arg1 : i32
    %scan3A = arith.constant 0 : i32
    %scan3A_1 = arith.constant 0 : i32
    %scan3A_2 = arith.constant 128 : i32
    %scan3A_3 = arith.addi %scan3A_1, %scan3A_2 : i32
    %scan3A_4 = arith.constant 1 : i32
    %scan3A_5 = scf.for %scan3A_42 = %scan3A_1 to %scan3A_3 step %scan3A_4 iter_args(%scan3A_43 = %scan3A) -> (i32)  : i32 {
      %broadcast_in_dim3A = arith.constant 0.000000e+00 : f32
      %broadcast_in_dim3A_44 = vector.broadcast %broadcast_in_dim3A : f32 to vector<16xf32>
      %swap3A = arith.index_cast %scan3A_42 : i32 to index
      %swap3A_45 = arith.constant 0 : index
      %swap3A_46 = tpu.vector_load %arg8[%swap3A, %swap3A_45] {strides = array<i32>} : memref<128x128xf32, #tpu.memory_space<vmem>>, vector<1x16xf32>,
      %swap3A_47 = vector.shape_cast %swap3A_46 : vector<1x16xf32> to vector<16xf32>
      %swap3A_48 = vector.shape_cast %broadcast_in_dim3A_44 : vector<16xf32> to vector<1x16xf32>
      tpu.vector_store %arg8[%swap3A, %swap3A_45], %swap3A_48 {strides = array<i32>} : memref<128x128xf32, #tpu.memory_space<vmem>>, vector<1x16xf32>,
      %broadcast_in_dim3A_49 = arith.constant 0.000000e+00 : f32
      %broadcast_in_dim3A_50 = vector.broadcast %broadcast_in_dim3A_49 : f32 to vector<16xf32>
      %swap3A_51 = arith.index_cast %scan3A_42 : i32 to index
      %swap3A_52 = arith.constant 16 : index
      %swap3A_53 = tpu.vector_load %arg8[%swap3A_51, %swap3A_52] {strides = array<i32>} : memref<128x128xf32, #tpu.memory_space<vmem>>, vector<1x16xf32>,
      %swap3A_54 = vector.shape_cast %swap3A_53 : vector<1x16xf32> to vector<16xf32>
      %swap3A_55 = vector.shape_cast %broadcast_in_dim3A_50 : vector<16xf32> to vector<1x16xf32>
      tpu.vector_store %arg8[%swap3A_51, %swap3A_52], %swap3A_55 {strides = array<i32>} : memref<128x128xf32, #tpu.memory_space<vmem>>, vector<1x16xf32>,
      %broadcast_in_dim3A_56 = arith.constant 0.000000e+00 : f32
      %broadcast_in_dim3A_57 = vector.broadcast %broadcast_in_dim3A_56 : f32 to vector<16xf32>
      %swap3A_58 = arith.index_cast %scan3A_42 : i32 to index
      %swap3A_59 = arith.constant 32 : index
      %swap3A_60 = tpu.vector_load %arg8[%swap3A_58, %swap3A_59] {strides = array<i32>} : memref<128x128xf32, #tpu.memory_space<vmem>>, vector<1x16xf32>,
      %swap3A_61 = vector.shape_cast %swap3A_60 : vector<1x16xf32> to vector<16xf32>
      %swap3A_62 = vector.shape_cast %broadcast_in_dim3A_57 : vector<16xf32> to vector<1x16xf32>
      tpu.vector_store %arg8[%swap3A_58, %swap3A_59], %swap3A_62 {strides = array<i32>} : memref<128x128xf32, #tpu.memory_space<vmem>>, vector<1x16xf32>,
      %broadcast_in_dim3A_63 = arith.constant 0.000000e+00 : f32
      %broadcast_in_dim3A_64 = vector.broadcast %broadcast_in_dim3A_63 : f32 to vector<16xf32>
      %swap3A_65 = arith.index_cast %scan3A_42 : i32 to index
      %swap3A_66 = arith.constant 48 : index
      %swap3A_67 = tpu.vector_load %arg8[%swap3A_65, %swap3A_66] {strides = array<i32>} : memref<128x128xf32, #tpu.memory_space<vmem>>, vector<1x16xf32>,
      %swap3A_68 = vector.shape_cast %swap3A_67 : vector<1x16xf32> to vector<16xf32>
      %swap3A_69 = vector.shape_cast %broadcast_in_dim3A_64 : vector<16xf32> to vector<1x16xf32>
      tpu.vector_store %arg8[%swap3A_65, %swap3A_66], %swap3A_69 {strides = array<i32>} : memref<128x128xf32, #tpu.memory_space<vmem>>, vector<1x16xf32>,
      %broadcast_in_dim3A_70 = arith.constant 0.000000e+00 : f32
      %broadcast_in_dim3A_71 = vector.broadcast %broadcast_in_dim3A_70 : f32 to vector<16xf32>
      %swap3A_72 = arith.index_cast %scan3A_42 : i32 to index
      %swap3A_73 = arith.constant 64 : index
      %swap3A_74 = tpu.vector_load %arg8[%swap3A_72, %swap3A_73] {strides = array<i32>} : memref<128x128xf32, #tpu.memory_space<vmem>>, vector<1x16xf32>,
      %swap3A_75 = vector.shape_cast %swap3A_74 : vector<1x16xf32> to vector<16xf32>
      %swap3A_76 = vector.shape_cast %broadcast_in_dim3A_71 : vector<16xf32> to vector<1x16xf32>
      tpu.vector_store %arg8[%swap3A_72, %swap3A_73], %swap3A_76 {strides = array<i32>} : memref<128x128xf32, #tpu.memory_space<vmem>>, vector<1x16xf32>,
      %broadcast_in_dim3A_77 = arith.constant 0.000000e+00 : f32
      %broadcast_in_dim3A_78 = vector.broadcast %broadcast_in_dim3A_77 : f32 to vector<16xf32>
      %swap3A_79 = arith.index_cast %scan3A_42 : i32 to index
      %swap3A_80 = arith.constant 80 : index
      %swap3A_81 = tpu.vector_load %arg8[%swap3A_79, %swap3A_80] {strides = array<i32>} : memref<128x128xf32, #tpu.memory_space<vmem>>, vector<1x16xf32>,
      %swap3A_82 = vector.shape_cast %swap3A_81 : vector<1x16xf32> to vector<16xf32>
      %swap3A_83 = vector.shape_cast %broadcast_in_dim3A_78 : vector<16xf32> to vector<1x16xf32>
      tpu.vector_store %arg8[%swap3A_79, %swap3A_80], %swap3A_83 {strides = array<i32>} : memref<128x128xf32, #tpu.memory_space<vmem>>, vector<1x16xf32>,
      %broadcast_in_dim3A_84 = arith.constant 0.000000e+00 : f32
      %broadcast_in_dim3A_85 = vector.broadcast %broadcast_in_dim3A_84 : f32 to vector<16xf32>
      %swap3A_86 = arith.index_cast %scan3A_42 : i32 to index
      %swap3A_87 = arith.constant 96 : index
      %swap3A_88 = tpu.vector_load %arg8[%swap3A_86, %swap3A_87] {strides = array<i32>} : memref<128x128xf32, #tpu.memory_space<vmem>>, vector<1x16xf32>,
      %swap3A_89 = vector.shape_cast %swap3A_88 : vector<1x16xf32> to vector<16xf32>
      %swap3A_90 = vector.shape_cast %broadcast_in_dim3A_85 : vector<16xf32> to vector<1x16xf32>
      tpu.vector_store %arg8[%swap3A_86, %swap3A_87], %swap3A_90 {strides = array<i32>} : memref<128x128xf32, #tpu.memory_space<vmem>>, vector<1x16xf32>,
      %broadcast_in_dim3A_91 = arith.constant 0.000000e+00 : f32
      %broadcast_in_dim3A_92 = vector.broadcast %broadcast_in_dim3A_91 : f32 to vector<16xf32>
      %swap3A_93 = arith.index_cast %scan3A_42 : i32 to index
      %swap3A_94 = arith.constant 112 : index
      %swap3A_95 = tpu.vector_load %arg8[%swap3A_93, %swap3A_94] {strides = array<i32>} : memref<128x128xf32, #tpu.memory_space<vmem>>, vector<1x16xf32>,
      %swap3A_96 = vector.shape_cast %swap3A_95 : vector<1x16xf32> to vector<16xf32>
      %swap3A_97 = vector.shape_cast %broadcast_in_dim3A_92 : vector<16xf32> to vector<1x16xf32>
      tpu.vector_store %arg8[%swap3A_93, %swap3A_94], %swap3A_97 {strides = array<i32>} : memref<128x128xf32, #tpu.memory_space<vmem>>, vector<1x16xf32>,
      %scan3A_98 = arith.constant 0 : i32
      scf.yield %scan3A_98 : i32
    }
    %scan3A_6 = arith.constant 128 : i32
    %mul3A_7 = arith.constant 640 : i32
    %mul3A_8 = arith.muli %arg1, %mul3A_7 : i32
    %add3A_9 = arith.constant 0 : i32
    %add3A_10 = arith.addi %mul3A_8, %add3A_9 : i32
    "tpu.region"() ({
      %run_scoped3A = tpu.sem_alloc : memref<!tpu.dma_semaphore, #tpu.memory_space<semaphore_mem>>
      %dma_start3A = arith.constant 0 : i32
      %dma_start3A_42 = tpu.memref_slice %arg10[%add3A_10, %dma_start3A] : memref<10240x128xf32, #tpu.memory_space<vmem_shared>> -> memref<128x128xf32, #tpu.memory_space<vmem_shared>>
      %dma_start3A_43 = arith.constant 0 : i32
      %dma_start3A_44 = tpu.memref_slice %arg10[%add3A_10, %dma_start3A_43] : memref<10240x128xf32, #tpu.memory_space<vmem_shared>> -> memref<128x128xf32, #tpu.memory_space<vmem_shared>>
      tpu.enqueue_dma source(%arg8 : memref<128x128xf32, #tpu.memory_space<vmem>>) target(%dma_start3A_44 : memref<128x128xf32, #tpu.memory_space<vmem_shared>>) target_semaphore(%run_scoped3A : memref<!tpu.dma_semaphore, #tpu.memory_space<semaphore_mem>>)
      %dma_wait3A = arith.constant 0 : i32
      %dma_wait3A_45 = tpu.memref_slice %arg10[%add3A_10, %dma_wait3A] : memref<10240x128xf32, #tpu.memory_space<vmem_shared>> -> memref<128x128xf32, #tpu.memory_space<vmem_shared>>
      %dma_wait3A_46 = arith.constant 0 : i32
      %dma_wait3A_47 = tpu.memref_slice %arg10[%add3A_10, %dma_wait3A_46] : memref<10240x128xf32, #tpu.memory_space<vmem_shared>> -> memref<128x128xf32, #tpu.memory_space<vmem_shared>>
      tpu.wait_dma2 semaphore(%run_scoped3A : memref<!tpu.dma_semaphore, #tpu.memory_space<semaphore_mem>>) src(%arg8 : memref<128x128xf32, #tpu.memory_space<vmem>>) dst(%dma_wait3A_47 : memref<128x128xf32, #tpu.memory_space<vmem_shared>>)
      tpu.yield
    }) : () -> ()
    %mul3A_11 = arith.constant 640 : i32
    %mul3A_12 = arith.muli %arg1, %mul3A_11 : i32
    %add3A_13 = arith.constant 128 : i32
    %add3A_14 = arith.addi %mul3A_12, %add3A_13 : i32
    "tpu.region"() ({
      %run_scoped3A = tpu.sem_alloc : memref<!tpu.dma_semaphore, #tpu.memory_space<semaphore_mem>>
      %dma_start3A = arith.constant 0 : i32
      %dma_start3A_42 = tpu.memref_slice %arg10[%add3A_14, %dma_start3A] : memref<10240x128xf32, #tpu.memory_space<vmem_shared>> -> memref<128x128xf32, #tpu.memory_space<vmem_shared>>
      %dma_start3A_43 = arith.constant 0 : i32
      %dma_start3A_44 = tpu.memref_slice %arg10[%add3A_14, %dma_start3A_43] : memref<10240x128xf32, #tpu.memory_space<vmem_shared>> -> memref<128x128xf32, #tpu.memory_space<vmem_shared>>
      tpu.enqueue_dma source(%arg8 : memref<128x128xf32, #tpu.memory_space<vmem>>) target(%dma_start3A_44 : memref<128x128xf32, #tpu.memory_space<vmem_shared>>) target_semaphore(%run_scoped3A : memref<!tpu.dma_semaphore, #tpu.memory_space<semaphore_mem>>)
      %dma_wait3A = arith.constant 0 : i32
      %dma_wait3A_45 = tpu.memref_slice %arg10[%add3A_14, %dma_wait3A] : memref<10240x128xf32, #tpu.memory_space<vmem_shared>> -> memref<128x128xf32, #tpu.memory_space<vmem_shared>>
      %dma_wait3A_46 = arith.constant 0 : i32
      %dma_wait3A_47 = tpu.memref_slice %arg10[%add3A_14, %dma_wait3A_46] : memref<10240x128xf32, #tpu.memory_space<vmem_shared>> -> memref<128x128xf32, #tpu.memory_space<vmem_shared>>
      tpu.wait_dma2 semaphore(%run_scoped3A : memref<!tpu.dma_semaphore, #tpu.memory_space<semaphore_mem>>) src(%arg8 : memref<128x128xf32, #tpu.memory_space<vmem>>) dst(%dma_wait3A_47 : memref<128x128xf32, #tpu.memory_space<vmem_shared>>)
      tpu.yield
    }) : () -> ()
    %mul3A_15 = arith.constant 640 : i32
    %mul3A_16 = arith.muli %arg1, %mul3A_15 : i32
    %add3A_17 = arith.constant 256 : i32
    %add3A_18 = arith.addi %mul3A_16, %add3A_17 : i32
    "tpu.region"() ({
      %run_scoped3A = tpu.sem_alloc : memref<!tpu.dma_semaphore, #tpu.memory_space<semaphore_mem>>
      %dma_start3A = arith.constant 0 : i32
      %dma_start3A_42 = tpu.memref_slice %arg10[%add3A_18, %dma_start3A] : memref<10240x128xf32, #tpu.memory_space<vmem_shared>> -> memref<128x128xf32, #tpu.memory_space<vmem_shared>>
      %dma_start3A_43 = arith.constant 0 : i32
      %dma_start3A_44 = tpu.memref_slice %arg10[%add3A_18, %dma_start3A_43] : memref<10240x128xf32, #tpu.memory_space<vmem_shared>> -> memref<128x128xf32, #tpu.memory_space<vmem_shared>>
      tpu.enqueue_dma source(%arg8 : memref<128x128xf32, #tpu.memory_space<vmem>>) target(%dma_start3A_44 : memref<128x128xf32, #tpu.memory_space<vmem_shared>>) target_semaphore(%run_scoped3A : memref<!tpu.dma_semaphore, #tpu.memory_space<semaphore_mem>>)
      %dma_wait3A = arith.constant 0 : i32
      %dma_wait3A_45 = tpu.memref_slice %arg10[%add3A_18, %dma_wait3A] : memref<10240x128xf32, #tpu.memory_space<vmem_shared>> -> memref<128x128xf32, #tpu.memory_space<vmem_shared>>
      %dma_wait3A_46 = arith.constant 0 : i32
      %dma_wait3A_47 = tpu.memref_slice %arg10[%add3A_18, %dma_wait3A_46] : memref<10240x128xf32, #tpu.memory_space<vmem_shared>> -> memref<128x128xf32, #tpu.memory_space<vmem_shared>>
      tpu.wait_dma2 semaphore(%run_scoped3A : memref<!tpu.dma_semaphore, #tpu.memory_space<semaphore_mem>>) src(%arg8 : memref<128x128xf32, #tpu.memory_space<vmem>>) dst(%dma_wait3A_47 : memref<128x128xf32, #tpu.memory_space<vmem_shared>>)
      tpu.yield
    }) : () -> ()
    %mul3A_19 = arith.constant 640 : i32
    %mul3A_20 = arith.muli %arg1, %mul3A_19 : i32
    %add3A_21 = arith.constant 384 : i32
    %add3A_22 = arith.addi %mul3A_20, %add3A_21 : i32
    "tpu.region"() ({
      %run_scoped3A = tpu.sem_alloc : memref<!tpu.dma_semaphore, #tpu.memory_space<semaphore_mem>>
      %dma_start3A = arith.constant 0 : i32
      %dma_start3A_42 = tpu.memref_slice %arg10[%add3A_22, %dma_start3A] : memref<10240x128xf32, #tpu.memory_space<vmem_shared>> -> memref<128x128xf32, #tpu.memory_space<vmem_shared>>
      %dma_start3A_43 = arith.constant 0 : i32
      %dma_start3A_44 = tpu.memref_slice %arg10[%add3A_22, %dma_start3A_43] : memref<10240x128xf32, #tpu.memory_space<vmem_shared>> -> memref<128x128xf32, #tpu.memory_space<vmem_shared>>
      tpu.enqueue_dma source(%arg8 : memref<128x128xf32, #tpu.memory_space<vmem>>) target(%dma_start3A_44 : memref<128x128xf32, #tpu.memory_space<vmem_shared>>) target_semaphore(%run_scoped3A : memref<!tpu.dma_semaphore, #tpu.memory_space<semaphore_mem>>)
      %dma_wait3A = arith.constant 0 : i32
      %dma_wait3A_45 = tpu.memref_slice %arg10[%add3A_22, %dma_wait3A] : memref<10240x128xf32, #tpu.memory_space<vmem_shared>> -> memref<128x128xf32, #tpu.memory_space<vmem_shared>>
      %dma_wait3A_46 = arith.constant 0 : i32
      %dma_wait3A_47 = tpu.memref_slice %arg10[%add3A_22, %dma_wait3A_46] : memref<10240x128xf32, #tpu.memory_space<vmem_shared>> -> memref<128x128xf32, #tpu.memory_space<vmem_shared>>
      tpu.wait_dma2 semaphore(%run_scoped3A : memref<!tpu.dma_semaphore, #tpu.memory_space<semaphore_mem>>) src(%arg8 : memref<128x128xf32, #tpu.memory_space<vmem>>) dst(%dma_wait3A_47 : memref<128x128xf32, #tpu.memory_space<vmem_shared>>)
      tpu.yield
    }) : () -> ()
    %mul3A_23 = arith.constant 640 : i32
    %mul3A_24 = arith.muli %arg1, %mul3A_23 : i32
    %add3A_25 = arith.constant 512 : i32
    %add3A_26 = arith.addi %mul3A_24, %add3A_25 : i32
    "tpu.region"() ({
      %run_scoped3A = tpu.sem_alloc : memref<!tpu.dma_semaphore, #tpu.memory_space<semaphore_mem>>
      %dma_start3A = arith.constant 0 : i32
      %dma_start3A_42 = tpu.memref_slice %arg10[%add3A_26, %dma_start3A] : memref<10240x128xf32, #tpu.memory_space<vmem_shared>> -> memref<128x128xf32, #tpu.memory_space<vmem_shared>>
      %dma_start3A_43 = arith.constant 0 : i32
      %dma_start3A_44 = tpu.memref_slice %arg10[%add3A_26, %dma_start3A_43] : memref<10240x128xf32, #tpu.memory_space<vmem_shared>> -> memref<128x128xf32, #tpu.memory_space<vmem_shared>>
      tpu.enqueue_dma source(%arg8 : memref<128x128xf32, #tpu.memory_space<vmem>>) target(%dma_start3A_44 : memref<128x128xf32, #tpu.memory_space<vmem_shared>>) target_semaphore(%run_scoped3A : memref<!tpu.dma_semaphore, #tpu.memory_space<semaphore_mem>>)
      %dma_wait3A = arith.constant 0 : i32
      %dma_wait3A_45 = tpu.memref_slice %arg10[%add3A_26, %dma_wait3A] : memref<10240x128xf32, #tpu.memory_space<vmem_shared>> -> memref<128x128xf32, #tpu.memory_space<vmem_shared>>
      %dma_wait3A_46 = arith.constant 0 : i32
      %dma_wait3A_47 = tpu.memref_slice %arg10[%add3A_26, %dma_wait3A_46] : memref<10240x128xf32, #tpu.memory_space<vmem_shared>> -> memref<128x128xf32, #tpu.memory_space<vmem_shared>>
      tpu.wait_dma2 semaphore(%run_scoped3A : memref<!tpu.dma_semaphore, #tpu.memory_space<semaphore_mem>>) src(%arg8 : memref<128x128xf32, #tpu.memory_space<vmem>>) dst(%dma_wait3A_47 : memref<128x128xf32, #tpu.memory_space<vmem_shared>>)
      tpu.yield
    }) : () -> ()
    %barrier3A = arith.constant 0 : index
    tpu.barrier barrier_id(%barrier3A)
    %scan3A_27 = arith.constant 0 : i32
    %scan3A_28 = arith.constant 0 : i32
    %scan3A_29 = arith.constant 2 : i32
    %scan3A_30 = arith.addi %scan3A_28, %scan3A_29 : i32
    %scan3A_31 = arith.constant 1 : i32
    %scan3A_32 = scf.for %scan3A_42 = %scan3A_28 to %scan3A_30 step %scan3A_31 iter_args(%scan3A_43 = %scan3A_27) -> (i32)  : i32 {
      %mul3A_44 = arith.constant 40 : i32
      %mul3A_45 = arith.muli %scan3A_42, %mul3A_44 : i32
      "tpu.region"() ({
        %run_scoped3A = tpu.sem_alloc : memref<!tpu.dma_semaphore, #tpu.memory_space<semaphore_mem>>
        %dma_start3A = arith.constant 0 : i32
        %dma_start3A_56 = tpu.memref_slice %arg3[%add3A, %mul3A_45, %dma_start3A] : memref<32x80x128xi32, #tpu.memory_space<hbm>> -> memref<1x40x128xi32, #tpu.memory_space<hbm>>
        %dma_start3A_57 = tpu.memref_squeeze %dma_start3A_56 : memref<1x40x128xi32, #tpu.memory_space<hbm>> -> memref<40x128xi32, #tpu.memory_space<hbm>>
        %dma_start3A_58 = arith.constant 0 : i32
        %dma_start3A_59 = tpu.memref_slice %arg3[%add3A, %mul3A_45, %dma_start3A_58] : memref<32x80x128xi32, #tpu.memory_space<hbm>> -> memref<1x40x128xi32, #tpu.memory_space<hbm>>
        %dma_start3A_60 = tpu.memref_squeeze %dma_start3A_59 : memref<1x40x128xi32, #tpu.memory_space<hbm>> -> memref<40x128xi32, #tpu.memory_space<hbm>>
        tpu.enqueue_dma source(%dma_start3A_60 : memref<40x128xi32, #tpu.memory_space<hbm>>) target(%arg6 : memref<40x128xi32, #tpu.memory_space<vmem>>) target_semaphore(%run_scoped3A : memref<!tpu.dma_semaphore, #tpu.memory_space<semaphore_mem>>)
        %dma_wait3A = arith.constant 0 : i32
        %dma_wait3A_61 = tpu.memref_slice %arg3[%add3A, %mul3A_45, %dma_wait3A] : memref<32x80x128xi32, #tpu.memory_space<hbm>> -> memref<1x40x128xi32, #tpu.memory_space<hbm>>
        %dma_wait3A_62 = tpu.memref_squeeze %dma_wait3A_61 : memref<1x40x128xi32, #tpu.memory_space<hbm>> -> memref<40x128xi32, #tpu.memory_space<hbm>>
        %dma_wait3A_63 = arith.constant 0 : i32
        %dma_wait3A_64 = tpu.memref_slice %arg3[%add3A, %mul3A_45, %dma_wait3A_63] : memref<32x80x128xi32, #tpu.memory_space<hbm>> -> memref<1x40x128xi32, #tpu.memory_space<hbm>>
        %dma_wait3A_65 = tpu.memref_squeeze %dma_wait3A_64 : memref<1x40x128xi32, #tpu.memory_space<hbm>> -> memref<40x128xi32, #tpu.memory_space<hbm>>
        tpu.wait_dma2 semaphore(%run_scoped3A : memref<!tpu.dma_semaphore, #tpu.memory_space<semaphore_mem>>) src(%dma_wait3A_65 : memref<40x128xi32, #tpu.memory_space<hbm>>) dst(%arg6 : memref<40x128xi32, #tpu.memory_space<vmem>>)
        tpu.yield
      }) : () -> ()
      %mul3A_46 = arith.constant 40 : i32
      %mul3A_47 = arith.muli %scan3A_42, %mul3A_46 : i32
      "tpu.region"() ({
        %run_scoped3A = tpu.sem_alloc : memref<!tpu.dma_semaphore, #tpu.memory_space<semaphore_mem>>
        %dma_start3A = arith.constant 0 : i32
        %dma_start3A_56 = tpu.memref_slice %arg4[%arg1, %mul3A_47, %dma_start3A] : memref<16x80x128xi32, #tpu.memory_space<hbm>> -> memref<1x40x128xi32, #tpu.memory_space<hbm>>
        %dma_start3A_57 = tpu.memref_squeeze %dma_start3A_56 : memref<1x40x128xi32, #tpu.memory_space<hbm>> -> memref<40x128xi32, #tpu.memory_space<hbm>>
        %dma_start3A_58 = arith.constant 0 : i32
        %dma_start3A_59 = tpu.memref_slice %arg4[%arg1, %mul3A_47, %dma_start3A_58] : memref<16x80x128xi32, #tpu.memory_space<hbm>> -> memref<1x40x128xi32, #tpu.memory_space<hbm>>
        %dma_start3A_60 = tpu.memref_squeeze %dma_start3A_59 : memref<1x40x128xi32, #tpu.memory_space<hbm>> -> memref<40x128xi32, #tpu.memory_space<hbm>>
        tpu.enqueue_dma source(%dma_start3A_60 : memref<40x128xi32, #tpu.memory_space<hbm>>) target(%arg7 : memref<40x128xi32, #tpu.memory_space<vmem>>) target_semaphore(%run_scoped3A : memref<!tpu.dma_semaphore, #tpu.memory_space<semaphore_mem>>)
        %dma_wait3A = arith.constant 0 : i32
        %dma_wait3A_61 = tpu.memref_slice %arg4[%arg1, %mul3A_47, %dma_wait3A] : memref<16x80x128xi32, #tpu.memory_space<hbm>> -> memref<1x40x128xi32, #tpu.memory_space<hbm>>
        %dma_wait3A_62 = tpu.memref_squeeze %dma_wait3A_61 : memref<1x40x128xi32, #tpu.memory_space<hbm>> -> memref<40x128xi32, #tpu.memory_space<hbm>>
        %dma_wait3A_63 = arith.constant 0 : i32
        %dma_wait3A_64 = tpu.memref_slice %arg4[%arg1, %mul3A_47, %dma_wait3A_63] : memref<16x80x128xi32, #tpu.memory_space<hbm>> -> memref<1x40x128xi32, #tpu.memory_space<hbm>>
        %dma_wait3A_65 = tpu.memref_squeeze %dma_wait3A_64 : memref<1x40x128xi32, #tpu.memory_space<hbm>> -> memref<40x128xi32, #tpu.memory_space<hbm>>
        tpu.wait_dma2 semaphore(%run_scoped3A : memref<!tpu.dma_semaphore, #tpu.memory_space<semaphore_mem>>) src(%dma_wait3A_65 : memref<40x128xi32, #tpu.memory_space<hbm>>) dst(%arg7 : memref<40x128xi32, #tpu.memory_space<vmem>>)
        tpu.yield
      }) : () -> ()
      %scan3A_48 = arith.constant 0 : i32
      %scan3A_49 = arith.constant 0 : i32
      %scan3A_50 = arith.constant 20 : i32
      %scan3A_51 = arith.addi %scan3A_49, %scan3A_50 : i32
      %scan3A_52 = arith.constant 1 : i32
      %scan3A_53 = scf.for %scan3A_56 = %scan3A_49 to %scan3A_51 step %scan3A_52 iter_args(%scan3A_57 = %scan3A_48) -> (i32)  : i32 {
        %mul3A_58 = arith.constant 2 : i32
        %mul3A_59 = arith.muli %mul3A_58, %scan3A_56 : i32
        %dma_start3A = arith.constant 0 : i32
        %dma_start3A_60 = tpu.memref_slice %arg6[%mul3A_59, %dma_start3A] : memref<40x128xi32, #tpu.memory_space<vmem>> -> memref<1x128xi32, #tpu.memory_space<vmem>>
        %dma_start3A_61 = tpu.memref_squeeze %dma_start3A_60 : memref<1x128xi32, #tpu.memory_space<vmem>> -> memref<128xi32, #tpu.memory_space<vmem>>
        %dma_start3A_62 = arith.constant 0 : i32
        %dma_start3A_63 = arith.constant 0 : i32
        %dma_start3A_64 = tpu.memref_slice %arg2[%dma_start3A_62, %dma_start3A_63] : memref<20480x128xf32, #tpu.memory_space<hbm>> -> memref<20480x128xf32, #tpu.memory_space<hbm>>
        tpu.enqueue_indirect_dma source(%dma_start3A_64 : memref<20480x128xf32, #tpu.memory_space<hbm>>) target(%arg8 : memref<128x128xf32, #tpu.memory_space<vmem>>) offsets(%dma_start3A_61 : memref<128xi32, #tpu.memory_space<vmem>>) semaphore(%arg11 : memref<!tpu.dma_semaphore, #tpu.memory_space<semaphore_mem>>)
        %add3A_65 = arith.constant 1 : i32
        %add3A_66 = arith.addi %mul3A_59, %add3A_65 : i32
        %dma_start3A_67 = arith.constant 0 : i32
        %dma_start3A_68 = tpu.memref_slice %arg6[%add3A_66, %dma_start3A_67] : memref<40x128xi32, #tpu.memory_space<vmem>> -> memref<1x128xi32, #tpu.memory_space<vmem>>
        %dma_start3A_69 = tpu.memref_squeeze %dma_start3A_68 : memref<1x128xi32, #tpu.memory_space<vmem>> -> memref<128xi32, #tpu.memory_space<vmem>>
        %dma_start3A_70 = arith.constant 0 : i32
        %dma_start3A_71 = arith.constant 0 : i32
        %dma_start3A_72 = tpu.memref_slice %arg2[%dma_start3A_70, %dma_start3A_71] : memref<20480x128xf32, #tpu.memory_space<hbm>> -> memref<20480x128xf32, #tpu.memory_space<hbm>>
        tpu.enqueue_indirect_dma source(%dma_start3A_72 : memref<20480x128xf32, #tpu.memory_space<hbm>>) target(%arg9 : memref<128x128xf32, #tpu.memory_space<vmem>>) offsets(%dma_start3A_69 : memref<128xi32, #tpu.memory_space<vmem>>) semaphore(%arg12 : memref<!tpu.dma_semaphore, #tpu.memory_space<semaphore_mem>>)
        %dma_wait3A = arith.constant 0 : i32
        %dma_wait3A_73 = tpu.memref_slice %arg6[%mul3A_59, %dma_wait3A] : memref<40x128xi32, #tpu.memory_space<vmem>> -> memref<1x128xi32, #tpu.memory_space<vmem>>
        %dma_wait3A_74 = tpu.memref_squeeze %dma_wait3A_73 : memref<1x128xi32, #tpu.memory_space<vmem>> -> memref<128xi32, #tpu.memory_space<vmem>>
        %dma_wait3A_75 = arith.constant 0 : i32
        %dma_wait3A_76 = arith.constant 0 : i32
        %dma_wait3A_77 = tpu.memref_slice %arg2[%dma_wait3A_75, %dma_wait3A_76] : memref<20480x128xf32, #tpu.memory_space<hbm>> -> memref<20480x128xf32, #tpu.memory_space<hbm>>
        tpu.wait_indirect_dma semaphore(%arg11 : memref<!tpu.dma_semaphore, #tpu.memory_space<semaphore_mem>>) src(%dma_wait3A_77 : memref<20480x128xf32, #tpu.memory_space<hbm>>) dst(%arg8 : memref<128x128xf32, #tpu.memory_space<vmem>>)
        "tpu.region"() ({
          %run_scoped3A = tpu.sem_alloc : memref<!tpu.dma_semaphore, #tpu.memory_space<semaphore_mem>>
          %dma_start3A_87 = arith.constant 0 : i32
          %dma_start3A_88 = tpu.memref_slice %arg7[%mul3A_59, %dma_start3A_87] : memref<40x128xi32, #tpu.memory_space<vmem>> -> memref<1x128xi32, #tpu.memory_space<vmem>>
          %dma_start3A_89 = tpu.memref_squeeze %dma_start3A_88 : memref<1x128xi32, #tpu.memory_space<vmem>> -> memref<128xi32, #tpu.memory_space<vmem>>
          %dma_start3A_90 = arith.constant 0 : i32
          %dma_start3A_91 = arith.constant 0 : i32
          %dma_start3A_92 = tpu.memref_slice %arg10[%dma_start3A_90, %dma_start3A_91] : memref<10240x128xf32, #tpu.memory_space<vmem_shared>> -> memref<10240x128xf32, #tpu.memory_space<vmem_shared>>
          tpu.enqueue_indirect_dma source(%arg8 : memref<128x128xf32, #tpu.memory_space<vmem>>) target(%dma_start3A_92 : memref<10240x128xf32, #tpu.memory_space<vmem_shared>>) offsets(%dma_start3A_89 : memref<128xi32, #tpu.memory_space<vmem>>) semaphore(%run_scoped3A : memref<!tpu.dma_semaphore, #tpu.memory_space<semaphore_mem>>) {add = true}
          %dma_wait3A_93 = arith.constant 0 : i32
          %dma_wait3A_94 = tpu.memref_slice %arg7[%mul3A_59, %dma_wait3A_93] : memref<40x128xi32, #tpu.memory_space<vmem>> -> memref<1x128xi32, #tpu.memory_space<vmem>>
          %dma_wait3A_95 = tpu.memref_squeeze %dma_wait3A_94 : memref<1x128xi32, #tpu.memory_space<vmem>> -> memref<128xi32, #tpu.memory_space<vmem>>
          %dma_wait3A_96 = arith.constant 0 : i32
          %dma_wait3A_97 = arith.constant 0 : i32
          %dma_wait3A_98 = tpu.memref_slice %arg10[%dma_wait3A_96, %dma_wait3A_97] : memref<10240x128xf32, #tpu.memory_space<vmem_shared>> -> memref<10240x128xf32, #tpu.memory_space<vmem_shared>>
          tpu.wait_indirect_dma semaphore(%run_scoped3A : memref<!tpu.dma_semaphore, #tpu.memory_space<semaphore_mem>>) src(%arg8 : memref<128x128xf32, #tpu.memory_space<vmem>>) dst(%dma_wait3A_98 : memref<10240x128xf32, #tpu.memory_space<vmem_shared>>)
          tpu.yield
        }) : () -> ()
        %dma_wait3A_78 = arith.constant 0 : i32
        %dma_wait3A_79 = tpu.memref_slice %arg6[%add3A_66, %dma_wait3A_78] : memref<40x128xi32, #tpu.memory_space<vmem>> -> memref<1x128xi32, #tpu.memory_space<vmem>>
        %dma_wait3A_80 = tpu.memref_squeeze %dma_wait3A_79 : memref<1x128xi32, #tpu.memory_space<vmem>> -> memref<128xi32, #tpu.memory_space<vmem>>
        %dma_wait3A_81 = arith.constant 0 : i32
        %dma_wait3A_82 = arith.constant 0 : i32
        %dma_wait3A_83 = tpu.memref_slice %arg2[%dma_wait3A_81, %dma_wait3A_82] : memref<20480x128xf32, #tpu.memory_space<hbm>> -> memref<20480x128xf32, #tpu.memory_space<hbm>>
        tpu.wait_indirect_dma semaphore(%arg12 : memref<!tpu.dma_semaphore, #tpu.memory_space<semaphore_mem>>) src(%dma_wait3A_83 : memref<20480x128xf32, #tpu.memory_space<hbm>>) dst(%arg9 : memref<128x128xf32, #tpu.memory_space<vmem>>)
        %add3A_84 = arith.constant 1 : i32
        %add3A_85 = arith.addi %mul3A_59, %add3A_84 : i32
        "tpu.region"() ({
          %run_scoped3A = tpu.sem_alloc : memref<!tpu.dma_semaphore, #tpu.memory_space<semaphore_mem>>
          %dma_start3A_87 = arith.constant 0 : i32
          %dma_start3A_88 = tpu.memref_slice %arg7[%add3A_85, %dma_start3A_87] : memref<40x128xi32, #tpu.memory_space<vmem>> -> memref<1x128xi32, #tpu.memory_space<vmem>>
          %dma_start3A_89 = tpu.memref_squeeze %dma_start3A_88 : memref<1x128xi32, #tpu.memory_space<vmem>> -> memref<128xi32, #tpu.memory_space<vmem>>
          %dma_start3A_90 = arith.constant 0 : i32
          %dma_start3A_91 = arith.constant 0 : i32
          %dma_start3A_92 = tpu.memref_slice %arg10[%dma_start3A_90, %dma_start3A_91] : memref<10240x128xf32, #tpu.memory_space<vmem_shared>> -> memref<10240x128xf32, #tpu.memory_space<vmem_shared>>
          tpu.enqueue_indirect_dma source(%arg9 : memref<128x128xf32, #tpu.memory_space<vmem>>) target(%dma_start3A_92 : memref<10240x128xf32, #tpu.memory_space<vmem_shared>>) offsets(%dma_start3A_89 : memref<128xi32, #tpu.memory_space<vmem>>) semaphore(%run_scoped3A : memref<!tpu.dma_semaphore, #tpu.memory_space<semaphore_mem>>) {add = true}
          %dma_wait3A_93 = arith.constant 0 : i32
          %dma_wait3A_94 = tpu.memref_slice %arg7[%add3A_85, %dma_wait3A_93] : memref<40x128xi32, #tpu.memory_space<vmem>> -> memref<1x128xi32, #tpu.memory_space<vmem>>
          %dma_wait3A_95 = tpu.memref_squeeze %dma_wait3A_94 : memref<1x128xi32, #tpu.memory_space<vmem>> -> memref<128xi32, #tpu.memory_space<vmem>>
          %dma_wait3A_96 = arith.constant 0 : i32
          %dma_wait3A_97 = arith.constant 0 : i32
          %dma_wait3A_98 = tpu.memref_slice %arg10[%dma_wait3A_96, %dma_wait3A_97] : memref<10240x128xf32, #tpu.memory_space<vmem_shared>> -> memref<10240x128xf32, #tpu.memory_space<vmem_shared>>
          tpu.wait_indirect_dma semaphore(%run_scoped3A : memref<!tpu.dma_semaphore, #tpu.memory_space<semaphore_mem>>) src(%arg9 : memref<128x128xf32, #tpu.memory_space<vmem>>) dst(%dma_wait3A_98 : memref<10240x128xf32, #tpu.memory_space<vmem_shared>>)
          tpu.yield
        }) : () -> ()
        %scan3A_86 = arith.constant 0 : i32
        scf.yield %scan3A_86 : i32
      }
      %scan3A_54 = arith.constant 20 : i32
      %scan3A_55 = arith.constant 0 : i32
      scf.yield %scan3A_55 : i32
    }
    %scan3A_33 = arith.constant 2 : i32
    %barrier3A_34 = arith.constant 0 : index
    tpu.barrier barrier_id(%barrier3A_34)
    %mul3A_35 = arith.constant 640 : i32
    %mul3A_36 = arith.muli %arg1, %mul3A_35 : i32
    %mul3A_37 = arith.constant 10240 : i32
    %mul3A_38 = arith.muli %arg0, %mul3A_37 : i32
    %mul3A_39 = arith.constant 640 : i32
    %mul3A_40 = arith.muli %arg1, %mul3A_39 : i32
    %add3A_41 = arith.addi %mul3A_38, %mul3A_40 : i32
    "tpu.region"() ({
      %run_scoped3A = tpu.sem_alloc : memref<!tpu.dma_semaphore, #tpu.memory_space<semaphore_mem>>
      %dma_start3A = arith.constant 0 : i32
      %dma_start3A_42 = tpu.memref_slice %arg5[%add3A_41, %dma_start3A] : memref<20480x128xf32, #tpu.memory_space<hbm>> -> memref<640x128xf32, #tpu.memory_space<hbm>>
      %dma_start3A_43 = arith.constant 0 : i32
      %dma_start3A_44 = tpu.memref_slice %arg10[%mul3A_36, %dma_start3A_43] : memref<10240x128xf32, #tpu.memory_space<vmem_shared>> -> memref<640x128xf32, #tpu.memory_space<vmem_shared>>
      tpu.enqueue_dma source(%dma_start3A_44 : memref<640x128xf32, #tpu.memory_space<vmem_shared>>) target(%dma_start3A_42 : memref<640x128xf32, #tpu.memory_space<hbm>>) target_semaphore(%run_scoped3A : memref<!tpu.dma_semaphore, #tpu.memory_space<semaphore_mem>>)
      %dma_wait3A = arith.constant 0 : i32
      %dma_wait3A_45 = tpu.memref_slice %arg5[%add3A_41, %dma_wait3A] : memref<20480x128xf32, #tpu.memory_space<hbm>> -> memref<640x128xf32, #tpu.memory_space<hbm>>
      %dma_wait3A_46 = arith.constant 0 : i32
      %dma_wait3A_47 = tpu.memref_slice %arg10[%mul3A_36, %dma_wait3A_46] : memref<10240x128xf32, #tpu.memory_space<vmem_shared>> -> memref<640x128xf32, #tpu.memory_space<vmem_shared>>
      tpu.wait_dma2 semaphore(%run_scoped3A : memref<!tpu.dma_semaphore, #tpu.memory_space<semaphore_mem>>) src(%dma_wait3A_47 : memref<640x128xf32, #tpu.memory_space<vmem_shared>>) dst(%dma_wait3A_45 : memref<640x128xf32, #tpu.memory_space<hbm>>)
      tpu.yield
    }) : () -> ()
    return
  }
}

#map = affine_map<(d0, d1) -> (0, 0, 0)>
#map1 = affine_map<(d0, d1) -> (0, 0)>
module attributes {stable_mosaic.version = 14 : i64} {
  func.func @_deg_body(%arg0: i32, %arg1: i32, %arg2: memref<32x40x128xi32, #tpu.memory_space<hbm>>, %arg3: memref<20480x16xf32, #tpu.memory_space<hbm>>, %arg4: memref<40x128xi32, #tpu.memory_space<vmem>>, %arg5: memref<128x16xf32, #tpu.memory_space<vmem>>, %arg6: memref<128x16xf32, #tpu.memory_space<vmem>>, %arg7: memref<10240x16xf32, #tpu.memory_space<vmem_shared>>) attributes {dimension_semantics = [#tpu.dimension_semantics<core_parallel>, #tpu.dimension_semantics<subcore_parallel>], iteration_bounds = array<i64: 2, 16>, scalar_prefetch = 0 : i64, scratch_operands = 4 : i64, tpu.core_type = #tpu.core_type<sc_vector_subcore>, window_params = [{transform_indices = #map}, {transform_indices = #map1}]} {
    %mul3A = arith.constant 16 : i32
    %mul3A_0 = arith.muli %arg0, %mul3A : i32
    %add3A = arith.addi %mul3A_0, %arg1 : i32
    "tpu.region"() ({
      %run_scoped3A = tpu.sem_alloc : memref<!tpu.dma_semaphore, #tpu.memory_space<semaphore_mem>>
      %dma_start3A = arith.constant 0 : i32
      %dma_start3A_42 = arith.constant 0 : i32
      %dma_start3A_43 = tpu.memref_slice %arg2[%add3A, %dma_start3A, %dma_start3A_42] : memref<32x40x128xi32, #tpu.memory_space<hbm>> -> memref<1x40x128xi32, #tpu.memory_space<hbm>>
      %dma_start3A_44 = tpu.memref_squeeze %dma_start3A_43 : memref<1x40x128xi32, #tpu.memory_space<hbm>> -> memref<40x128xi32, #tpu.memory_space<hbm>>
      %dma_start3A_45 = arith.constant 0 : i32
      %dma_start3A_46 = arith.constant 0 : i32
      %dma_start3A_47 = tpu.memref_slice %arg2[%add3A, %dma_start3A_45, %dma_start3A_46] : memref<32x40x128xi32, #tpu.memory_space<hbm>> -> memref<1x40x128xi32, #tpu.memory_space<hbm>>
      %dma_start3A_48 = tpu.memref_squeeze %dma_start3A_47 : memref<1x40x128xi32, #tpu.memory_space<hbm>> -> memref<40x128xi32, #tpu.memory_space<hbm>>
      tpu.enqueue_dma source(%dma_start3A_48 : memref<40x128xi32, #tpu.memory_space<hbm>>) target(%arg4 : memref<40x128xi32, #tpu.memory_space<vmem>>) target_semaphore(%run_scoped3A : memref<!tpu.dma_semaphore, #tpu.memory_space<semaphore_mem>>)
      %dma_wait3A = arith.constant 0 : i32
      %dma_wait3A_49 = arith.constant 0 : i32
      %dma_wait3A_50 = tpu.memref_slice %arg2[%add3A, %dma_wait3A, %dma_wait3A_49] : memref<32x40x128xi32, #tpu.memory_space<hbm>> -> memref<1x40x128xi32, #tpu.memory_space<hbm>>
      %dma_wait3A_51 = tpu.memref_squeeze %dma_wait3A_50 : memref<1x40x128xi32, #tpu.memory_space<hbm>> -> memref<40x128xi32, #tpu.memory_space<hbm>>
      %dma_wait3A_52 = arith.constant 0 : i32
      %dma_wait3A_53 = arith.constant 0 : i32
      %dma_wait3A_54 = tpu.memref_slice %arg2[%add3A, %dma_wait3A_52, %dma_wait3A_53] : memref<32x40x128xi32, #tpu.memory_space<hbm>> -> memref<1x40x128xi32, #tpu.memory_space<hbm>>
      %dma_wait3A_55 = tpu.memref_squeeze %dma_wait3A_54 : memref<1x40x128xi32, #tpu.memory_space<hbm>> -> memref<40x128xi32, #tpu.memory_space<hbm>>
      tpu.wait_dma2 semaphore(%run_scoped3A : memref<!tpu.dma_semaphore, #tpu.memory_space<semaphore_mem>>) src(%dma_wait3A_55 : memref<40x128xi32, #tpu.memory_space<hbm>>) dst(%arg4 : memref<40x128xi32, #tpu.memory_space<vmem>>)
      tpu.yield
    }) : () -> ()
    %scan3A = arith.constant 0 : i32
    %scan3A_1 = arith.constant 0 : i32
    %scan3A_2 = arith.constant 128 : i32
    %scan3A_3 = arith.addi %scan3A_1, %scan3A_2 : i32
    %scan3A_4 = arith.constant 1 : i32
    %scan3A_5 = scf.for %scan3A_42 = %scan3A_1 to %scan3A_3 step %scan3A_4 iter_args(%scan3A_43 = %scan3A) -> (i32)  : i32 {
      %broadcast_in_dim3A = arith.constant 1.000000e+00 : f32
      %broadcast_in_dim3A_44 = vector.broadcast %broadcast_in_dim3A : f32 to vector<16xf32>
      %swap3A = arith.index_cast %scan3A_42 : i32 to index
      %swap3A_45 = arith.constant 0 : index
      %swap3A_46 = tpu.vector_load %arg5[%swap3A, %swap3A_45] {strides = array<i32>} : memref<128x16xf32, #tpu.memory_space<vmem>>, vector<1x16xf32>,
      %swap3A_47 = vector.shape_cast %swap3A_46 : vector<1x16xf32> to vector<16xf32>
      %swap3A_48 = vector.shape_cast %broadcast_in_dim3A_44 : vector<16xf32> to vector<1x16xf32>
      tpu.vector_store %arg5[%swap3A, %swap3A_45], %swap3A_48 {strides = array<i32>} : memref<128x16xf32, #tpu.memory_space<vmem>>, vector<1x16xf32>,
      %broadcast_in_dim3A_49 = arith.constant 0.000000e+00 : f32
      %broadcast_in_dim3A_50 = vector.broadcast %broadcast_in_dim3A_49 : f32 to vector<16xf32>
      %swap3A_51 = arith.index_cast %scan3A_42 : i32 to index
      %swap3A_52 = arith.constant 0 : index
      %swap3A_53 = tpu.vector_load %arg6[%swap3A_51, %swap3A_52] {strides = array<i32>} : memref<128x16xf32, #tpu.memory_space<vmem>>, vector<1x16xf32>,
      %swap3A_54 = vector.shape_cast %swap3A_53 : vector<1x16xf32> to vector<16xf32>
      %swap3A_55 = vector.shape_cast %broadcast_in_dim3A_50 : vector<16xf32> to vector<1x16xf32>
      tpu.vector_store %arg6[%swap3A_51, %swap3A_52], %swap3A_55 {strides = array<i32>} : memref<128x16xf32, #tpu.memory_space<vmem>>, vector<1x16xf32>,
      %scan3A_56 = arith.constant 0 : i32
      scf.yield %scan3A_56 : i32
    }
    %scan3A_6 = arith.constant 128 : i32
    %mul3A_7 = arith.constant 640 : i32
    %mul3A_8 = arith.muli %arg1, %mul3A_7 : i32
    %add3A_9 = arith.constant 0 : i32
    %add3A_10 = arith.addi %mul3A_8, %add3A_9 : i32
    "tpu.region"() ({
      %run_scoped3A = tpu.sem_alloc : memref<!tpu.dma_semaphore, #tpu.memory_space<semaphore_mem>>
      %dma_start3A = arith.constant 0 : i32
      %dma_start3A_42 = tpu.memref_slice %arg7[%add3A_10, %dma_start3A] : memref<10240x16xf32, #tpu.memory_space<vmem_shared>> -> memref<128x16xf32, #tpu.memory_space<vmem_shared>>
      %dma_start3A_43 = arith.constant 0 : i32
      %dma_start3A_44 = tpu.memref_slice %arg7[%add3A_10, %dma_start3A_43] : memref<10240x16xf32, #tpu.memory_space<vmem_shared>> -> memref<128x16xf32, #tpu.memory_space<vmem_shared>>
      tpu.enqueue_dma source(%arg6 : memref<128x16xf32, #tpu.memory_space<vmem>>) target(%dma_start3A_44 : memref<128x16xf32, #tpu.memory_space<vmem_shared>>) target_semaphore(%run_scoped3A : memref<!tpu.dma_semaphore, #tpu.memory_space<semaphore_mem>>)
      %dma_wait3A = arith.constant 0 : i32
      %dma_wait3A_45 = tpu.memref_slice %arg7[%add3A_10, %dma_wait3A] : memref<10240x16xf32, #tpu.memory_space<vmem_shared>> -> memref<128x16xf32, #tpu.memory_space<vmem_shared>>
      %dma_wait3A_46 = arith.constant 0 : i32
      %dma_wait3A_47 = tpu.memref_slice %arg7[%add3A_10, %dma_wait3A_46] : memref<10240x16xf32, #tpu.memory_space<vmem_shared>> -> memref<128x16xf32, #tpu.memory_space<vmem_shared>>
      tpu.wait_dma2 semaphore(%run_scoped3A : memref<!tpu.dma_semaphore, #tpu.memory_space<semaphore_mem>>) src(%arg6 : memref<128x16xf32, #tpu.memory_space<vmem>>) dst(%dma_wait3A_47 : memref<128x16xf32, #tpu.memory_space<vmem_shared>>)
      tpu.yield
    }) : () -> ()
    %mul3A_11 = arith.constant 640 : i32
    %mul3A_12 = arith.muli %arg1, %mul3A_11 : i32
    %add3A_13 = arith.constant 128 : i32
    %add3A_14 = arith.addi %mul3A_12, %add3A_13 : i32
    "tpu.region"() ({
      %run_scoped3A = tpu.sem_alloc : memref<!tpu.dma_semaphore, #tpu.memory_space<semaphore_mem>>
      %dma_start3A = arith.constant 0 : i32
      %dma_start3A_42 = tpu.memref_slice %arg7[%add3A_14, %dma_start3A] : memref<10240x16xf32, #tpu.memory_space<vmem_shared>> -> memref<128x16xf32, #tpu.memory_space<vmem_shared>>
      %dma_start3A_43 = arith.constant 0 : i32
      %dma_start3A_44 = tpu.memref_slice %arg7[%add3A_14, %dma_start3A_43] : memref<10240x16xf32, #tpu.memory_space<vmem_shared>> -> memref<128x16xf32, #tpu.memory_space<vmem_shared>>
      tpu.enqueue_dma source(%arg6 : memref<128x16xf32, #tpu.memory_space<vmem>>) target(%dma_start3A_44 : memref<128x16xf32, #tpu.memory_space<vmem_shared>>) target_semaphore(%run_scoped3A : memref<!tpu.dma_semaphore, #tpu.memory_space<semaphore_mem>>)
      %dma_wait3A = arith.constant 0 : i32
      %dma_wait3A_45 = tpu.memref_slice %arg7[%add3A_14, %dma_wait3A] : memref<10240x16xf32, #tpu.memory_space<vmem_shared>> -> memref<128x16xf32, #tpu.memory_space<vmem_shared>>
      %dma_wait3A_46 = arith.constant 0 : i32
      %dma_wait3A_47 = tpu.memref_slice %arg7[%add3A_14, %dma_wait3A_46] : memref<10240x16xf32, #tpu.memory_space<vmem_shared>> -> memref<128x16xf32, #tpu.memory_space<vmem_shared>>
      tpu.wait_dma2 semaphore(%run_scoped3A : memref<!tpu.dma_semaphore, #tpu.memory_space<semaphore_mem>>) src(%arg6 : memref<128x16xf32, #tpu.memory_space<vmem>>) dst(%dma_wait3A_47 : memref<128x16xf32, #tpu.memory_space<vmem_shared>>)
      tpu.yield
    }) : () -> ()
    %mul3A_15 = arith.constant 640 : i32
    %mul3A_16 = arith.muli %arg1, %mul3A_15 : i32
    %add3A_17 = arith.constant 256 : i32
    %add3A_18 = arith.addi %mul3A_16, %add3A_17 : i32
    "tpu.region"() ({
      %run_scoped3A = tpu.sem_alloc : memref<!tpu.dma_semaphore, #tpu.memory_space<semaphore_mem>>
      %dma_start3A = arith.constant 0 : i32
      %dma_start3A_42 = tpu.memref_slice %arg7[%add3A_18, %dma_start3A] : memref<10240x16xf32, #tpu.memory_space<vmem_shared>> -> memref<128x16xf32, #tpu.memory_space<vmem_shared>>
      %dma_start3A_43 = arith.constant 0 : i32
      %dma_start3A_44 = tpu.memref_slice %arg7[%add3A_18, %dma_start3A_43] : memref<10240x16xf32, #tpu.memory_space<vmem_shared>> -> memref<128x16xf32, #tpu.memory_space<vmem_shared>>
      tpu.enqueue_dma source(%arg6 : memref<128x16xf32, #tpu.memory_space<vmem>>) target(%dma_start3A_44 : memref<128x16xf32, #tpu.memory_space<vmem_shared>>) target_semaphore(%run_scoped3A : memref<!tpu.dma_semaphore, #tpu.memory_space<semaphore_mem>>)
      %dma_wait3A = arith.constant 0 : i32
      %dma_wait3A_45 = tpu.memref_slice %arg7[%add3A_18, %dma_wait3A] : memref<10240x16xf32, #tpu.memory_space<vmem_shared>> -> memref<128x16xf32, #tpu.memory_space<vmem_shared>>
      %dma_wait3A_46 = arith.constant 0 : i32
      %dma_wait3A_47 = tpu.memref_slice %arg7[%add3A_18, %dma_wait3A_46] : memref<10240x16xf32, #tpu.memory_space<vmem_shared>> -> memref<128x16xf32, #tpu.memory_space<vmem_shared>>
      tpu.wait_dma2 semaphore(%run_scoped3A : memref<!tpu.dma_semaphore, #tpu.memory_space<semaphore_mem>>) src(%arg6 : memref<128x16xf32, #tpu.memory_space<vmem>>) dst(%dma_wait3A_47 : memref<128x16xf32, #tpu.memory_space<vmem_shared>>)
      tpu.yield
    }) : () -> ()
    %mul3A_19 = arith.constant 640 : i32
    %mul3A_20 = arith.muli %arg1, %mul3A_19 : i32
    %add3A_21 = arith.constant 384 : i32
    %add3A_22 = arith.addi %mul3A_20, %add3A_21 : i32
    "tpu.region"() ({
      %run_scoped3A = tpu.sem_alloc : memref<!tpu.dma_semaphore, #tpu.memory_space<semaphore_mem>>
      %dma_start3A = arith.constant 0 : i32
      %dma_start3A_42 = tpu.memref_slice %arg7[%add3A_22, %dma_start3A] : memref<10240x16xf32, #tpu.memory_space<vmem_shared>> -> memref<128x16xf32, #tpu.memory_space<vmem_shared>>
      %dma_start3A_43 = arith.constant 0 : i32
      %dma_start3A_44 = tpu.memref_slice %arg7[%add3A_22, %dma_start3A_43] : memref<10240x16xf32, #tpu.memory_space<vmem_shared>> -> memref<128x16xf32, #tpu.memory_space<vmem_shared>>
      tpu.enqueue_dma source(%arg6 : memref<128x16xf32, #tpu.memory_space<vmem>>) target(%dma_start3A_44 : memref<128x16xf32, #tpu.memory_space<vmem_shared>>) target_semaphore(%run_scoped3A : memref<!tpu.dma_semaphore, #tpu.memory_space<semaphore_mem>>)
      %dma_wait3A = arith.constant 0 : i32
      %dma_wait3A_45 = tpu.memref_slice %arg7[%add3A_22, %dma_wait3A] : memref<10240x16xf32, #tpu.memory_space<vmem_shared>> -> memref<128x16xf32, #tpu.memory_space<vmem_shared>>
      %dma_wait3A_46 = arith.constant 0 : i32
      %dma_wait3A_47 = tpu.memref_slice %arg7[%add3A_22, %dma_wait3A_46] : memref<10240x16xf32, #tpu.memory_space<vmem_shared>> -> memref<128x16xf32, #tpu.memory_space<vmem_shared>>
      tpu.wait_dma2 semaphore(%run_scoped3A : memref<!tpu.dma_semaphore, #tpu.memory_space<semaphore_mem>>) src(%arg6 : memref<128x16xf32, #tpu.memory_space<vmem>>) dst(%dma_wait3A_47 : memref<128x16xf32, #tpu.memory_space<vmem_shared>>)
      tpu.yield
    }) : () -> ()
    %mul3A_23 = arith.constant 640 : i32
    %mul3A_24 = arith.muli %arg1, %mul3A_23 : i32
    %add3A_25 = arith.constant 512 : i32
    %add3A_26 = arith.addi %mul3A_24, %add3A_25 : i32
    "tpu.region"() ({
      %run_scoped3A = tpu.sem_alloc : memref<!tpu.dma_semaphore, #tpu.memory_space<semaphore_mem>>
      %dma_start3A = arith.constant 0 : i32
      %dma_start3A_42 = tpu.memref_slice %arg7[%add3A_26, %dma_start3A] : memref<10240x16xf32, #tpu.memory_space<vmem_shared>> -> memref<128x16xf32, #tpu.memory_space<vmem_shared>>
      %dma_start3A_43 = arith.constant 0 : i32
      %dma_start3A_44 = tpu.memref_slice %arg7[%add3A_26, %dma_start3A_43] : memref<10240x16xf32, #tpu.memory_space<vmem_shared>> -> memref<128x16xf32, #tpu.memory_space<vmem_shared>>
      tpu.enqueue_dma source(%arg6 : memref<128x16xf32, #tpu.memory_space<vmem>>) target(%dma_start3A_44 : memref<128x16xf32, #tpu.memory_space<vmem_shared>>) target_semaphore(%run_scoped3A : memref<!tpu.dma_semaphore, #tpu.memory_space<semaphore_mem>>)
      %dma_wait3A = arith.constant 0 : i32
      %dma_wait3A_45 = tpu.memref_slice %arg7[%add3A_26, %dma_wait3A] : memref<10240x16xf32, #tpu.memory_space<vmem_shared>> -> memref<128x16xf32, #tpu.memory_space<vmem_shared>>
      %dma_wait3A_46 = arith.constant 0 : i32
      %dma_wait3A_47 = tpu.memref_slice %arg7[%add3A_26, %dma_wait3A_46] : memref<10240x16xf32, #tpu.memory_space<vmem_shared>> -> memref<128x16xf32, #tpu.memory_space<vmem_shared>>
      tpu.wait_dma2 semaphore(%run_scoped3A : memref<!tpu.dma_semaphore, #tpu.memory_space<semaphore_mem>>) src(%arg6 : memref<128x16xf32, #tpu.memory_space<vmem>>) dst(%dma_wait3A_47 : memref<128x16xf32, #tpu.memory_space<vmem_shared>>)
      tpu.yield
    }) : () -> ()
    %barrier3A = arith.constant 0 : index
    tpu.barrier barrier_id(%barrier3A)
    %scan3A_27 = arith.constant 0 : i32
    %scan3A_28 = arith.constant 0 : i32
    %scan3A_29 = arith.constant 40 : i32
    %scan3A_30 = arith.addi %scan3A_28, %scan3A_29 : i32
    %scan3A_31 = arith.constant 1 : i32
    %scan3A_32 = scf.for %scan3A_42 = %scan3A_28 to %scan3A_30 step %scan3A_31 iter_args(%scan3A_43 = %scan3A_27) -> (i32)  : i32 {
      "tpu.region"() ({
        %run_scoped3A = tpu.sem_alloc : memref<!tpu.dma_semaphore, #tpu.memory_space<semaphore_mem>>
        %dma_start3A = arith.constant 0 : i32
        %dma_start3A_45 = tpu.memref_slice %arg4[%scan3A_42, %dma_start3A] : memref<40x128xi32, #tpu.memory_space<vmem>> -> memref<1x128xi32, #tpu.memory_space<vmem>>
        %dma_start3A_46 = tpu.memref_squeeze %dma_start3A_45 : memref<1x128xi32, #tpu.memory_space<vmem>> -> memref<128xi32, #tpu.memory_space<vmem>>
        %dma_start3A_47 = arith.constant 0 : i32
        %dma_start3A_48 = arith.constant 0 : i32
        %dma_start3A_49 = tpu.memref_slice %arg7[%dma_start3A_47, %dma_start3A_48] : memref<10240x16xf32, #tpu.memory_space<vmem_shared>> -> memref<10240x16xf32, #tpu.memory_space<vmem_shared>>
        tpu.enqueue_indirect_dma source(%arg5 : memref<128x16xf32, #tpu.memory_space<vmem>>) target(%dma_start3A_49 : memref<10240x16xf32, #tpu.memory_space<vmem_shared>>) offsets(%dma_start3A_46 : memref<128xi32, #tpu.memory_space<vmem>>) semaphore(%run_scoped3A : memref<!tpu.dma_semaphore, #tpu.memory_space<semaphore_mem>>) {add = true}
        %dma_wait3A = arith.constant 0 : i32
        %dma_wait3A_50 = tpu.memref_slice %arg4[%scan3A_42, %dma_wait3A] : memref<40x128xi32, #tpu.memory_space<vmem>> -> memref<1x128xi32, #tpu.memory_space<vmem>>
        %dma_wait3A_51 = tpu.memref_squeeze %dma_wait3A_50 : memref<1x128xi32, #tpu.memory_space<vmem>> -> memref<128xi32, #tpu.memory_space<vmem>>
        %dma_wait3A_52 = arith.constant 0 : i32
        %dma_wait3A_53 = arith.constant 0 : i32
        %dma_wait3A_54 = tpu.memref_slice %arg7[%dma_wait3A_52, %dma_wait3A_53] : memref<10240x16xf32, #tpu.memory_space<vmem_shared>> -> memref<10240x16xf32, #tpu.memory_space<vmem_shared>>
        tpu.wait_indirect_dma semaphore(%run_scoped3A : memref<!tpu.dma_semaphore, #tpu.memory_space<semaphore_mem>>) src(%arg5 : memref<128x16xf32, #tpu.memory_space<vmem>>) dst(%dma_wait3A_54 : memref<10240x16xf32, #tpu.memory_space<vmem_shared>>)
        tpu.yield
      }) : () -> ()
      %scan3A_44 = arith.constant 0 : i32
      scf.yield %scan3A_44 : i32
    }
    %scan3A_33 = arith.constant 40 : i32
    %barrier3A_34 = arith.constant 0 : index
    tpu.barrier barrier_id(%barrier3A_34)
    %mul3A_35 = arith.constant 640 : i32
    %mul3A_36 = arith.muli %arg1, %mul3A_35 : i32
    %mul3A_37 = arith.constant 10240 : i32
    %mul3A_38 = arith.muli %arg0, %mul3A_37 : i32
    %mul3A_39 = arith.constant 640 : i32
    %mul3A_40 = arith.muli %arg1, %mul3A_39 : i32
    %add3A_41 = arith.addi %mul3A_38, %mul3A_40 : i32
    "tpu.region"() ({
      %run_scoped3A = tpu.sem_alloc : memref<!tpu.dma_semaphore, #tpu.memory_space<semaphore_mem>>
      %dma_start3A = arith.constant 0 : i32
      %dma_start3A_42 = tpu.memref_slice %arg3[%add3A_41, %dma_start3A] : memref<20480x16xf32, #tpu.memory_space<hbm>> -> memref<640x16xf32, #tpu.memory_space<hbm>>
      %dma_start3A_43 = arith.constant 0 : i32
      %dma_start3A_44 = tpu.memref_slice %arg7[%mul3A_36, %dma_start3A_43] : memref<10240x16xf32, #tpu.memory_space<vmem_shared>> -> memref<640x16xf32, #tpu.memory_space<vmem_shared>>
      tpu.enqueue_dma source(%dma_start3A_44 : memref<640x16xf32, #tpu.memory_space<vmem_shared>>) target(%dma_start3A_42 : memref<640x16xf32, #tpu.memory_space<hbm>>) target_semaphore(%run_scoped3A : memref<!tpu.dma_semaphore, #tpu.memory_space<semaphore_mem>>)
      %dma_wait3A = arith.constant 0 : i32
      %dma_wait3A_45 = tpu.memref_slice %arg3[%add3A_41, %dma_wait3A] : memref<20480x16xf32, #tpu.memory_space<hbm>> -> memref<640x16xf32, #tpu.memory_space<hbm>>
      %dma_wait3A_46 = arith.constant 0 : i32
      %dma_wait3A_47 = tpu.memref_slice %arg7[%mul3A_36, %dma_wait3A_46] : memref<10240x16xf32, #tpu.memory_space<vmem_shared>> -> memref<640x16xf32, #tpu.memory_space<vmem_shared>>
      tpu.wait_dma2 semaphore(%run_scoped3A : memref<!tpu.dma_semaphore, #tpu.memory_space<semaphore_mem>>) src(%dma_wait3A_47 : memref<640x16xf32, #tpu.memory_space<vmem_shared>>) dst(%dma_wait3A_45 : memref<640x16xf32, #tpu.memory_space<hbm>>)
      tpu.yield
    }) : () -> ()
    return
  }
}

#map = affine_map<(d0, d1) -> (0, 0)>
#map1 = affine_map<(d0, d1) -> (0, 0, 0)>
module attributes {stable_mosaic.version = 14 : i64} {
  func.func @_segsum_body(%arg0: i32, %arg1: i32, %arg2: memref<20480x128xf32, #tpu.memory_space<hbm>>, %arg3: memref<32x80x128xi32, #tpu.memory_space<hbm>>, %arg4: memref<16x80x128xi32, #tpu.memory_space<hbm>>, %arg5: memref<20480x128xf32, #tpu.memory_space<hbm>>, %arg6: memref<40x128xi32, #tpu.memory_space<vmem>>, %arg7: memref<40x128xi32, #tpu.memory_space<vmem>>, %arg8: memref<128x128xf32, #tpu.memory_space<vmem>>, %arg9: memref<128x128xf32, #tpu.memory_space<vmem>>, %arg10: memref<10240x128xf32, #tpu.memory_space<vmem_shared>>, %arg11: memref<!tpu.dma_semaphore, #tpu.memory_space<semaphore_mem>>, %arg12: memref<!tpu.dma_semaphore, #tpu.memory_space<semaphore_mem>>, %arg13: memref<!tpu.dma_semaphore, #tpu.memory_space<semaphore_mem>>, %arg14: memref<!tpu.dma_semaphore, #tpu.memory_space<semaphore_mem>>) attributes {dimension_semantics = [#tpu.dimension_semantics<core_parallel>, #tpu.dimension_semantics<subcore_parallel>], iteration_bounds = array<i64: 2, 16>, scalar_prefetch = 0 : i64, scratch_operands = 9 : i64, tpu.core_type = #tpu.core_type<sc_vector_subcore>, window_params = [{transform_indices = #map}, {transform_indices = #map1}, {transform_indices = #map1}, {transform_indices = #map}]} {
    %mul3A = arith.constant 16 : i32
    %mul3A_0 = arith.muli %arg0, %mul3A : i32
    %add3A = arith.addi %mul3A_0, %arg1 : i32
    %scan3A = arith.constant 0 : i32
    %scan3A_1 = arith.constant 0 : i32
    %scan3A_2 = arith.constant 128 : i32
    %scan3A_3 = arith.addi %scan3A_1, %scan3A_2 : i32
    %scan3A_4 = arith.constant 1 : i32
    %scan3A_5 = scf.for %scan3A_42 = %scan3A_1 to %scan3A_3 step %scan3A_4 iter_args(%scan3A_43 = %scan3A) -> (i32)  : i32 {
      %broadcast_in_dim3A = arith.constant 0.000000e+00 : f32
      %broadcast_in_dim3A_44 = vector.broadcast %broadcast_in_dim3A : f32 to vector<16xf32>
      %swap3A = arith.index_cast %scan3A_42 : i32 to index
      %swap3A_45 = arith.constant 0 : index
      %swap3A_46 = tpu.vector_load %arg8[%swap3A, %swap3A_45] {strides = array<i32>} : memref<128x128xf32, #tpu.memory_space<vmem>>, vector<1x16xf32>,
      %swap3A_47 = vector.shape_cast %swap3A_46 : vector<1x16xf32> to vector<16xf32>
      %swap3A_48 = vector.shape_cast %broadcast_in_dim3A_44 : vector<16xf32> to vector<1x16xf32>
      tpu.vector_store %arg8[%swap3A, %swap3A_45], %swap3A_48 {strides = array<i32>} : memref<128x128xf32, #tpu.memory_space<vmem>>, vector<1x16xf32>,
      %broadcast_in_dim3A_49 = arith.constant 0.000000e+00 : f32
      %broadcast_in_dim3A_50 = vector.broadcast %broadcast_in_dim3A_49 : f32 to vector<16xf32>
      %swap3A_51 = arith.index_cast %scan3A_42 : i32 to index
      %swap3A_52 = arith.constant 16 : index
      %swap3A_53 = tpu.vector_load %arg8[%swap3A_51, %swap3A_52] {strides = array<i32>} : memref<128x128xf32, #tpu.memory_space<vmem>>, vector<1x16xf32>,
      %swap3A_54 = vector.shape_cast %swap3A_53 : vector<1x16xf32> to vector<16xf32>
      %swap3A_55 = vector.shape_cast %broadcast_in_dim3A_50 : vector<16xf32> to vector<1x16xf32>
      tpu.vector_store %arg8[%swap3A_51, %swap3A_52], %swap3A_55 {strides = array<i32>} : memref<128x128xf32, #tpu.memory_space<vmem>>, vector<1x16xf32>,
      %broadcast_in_dim3A_56 = arith.constant 0.000000e+00 : f32
      %broadcast_in_dim3A_57 = vector.broadcast %broadcast_in_dim3A_56 : f32 to vector<16xf32>
      %swap3A_58 = arith.index_cast %scan3A_42 : i32 to index
      %swap3A_59 = arith.constant 32 : index
      %swap3A_60 = tpu.vector_load %arg8[%swap3A_58, %swap3A_59] {strides = array<i32>} : memref<128x128xf32, #tpu.memory_space<vmem>>, vector<1x16xf32>,
      %swap3A_61 = vector.shape_cast %swap3A_60 : vector<1x16xf32> to vector<16xf32>
      %swap3A_62 = vector.shape_cast %broadcast_in_dim3A_57 : vector<16xf32> to vector<1x16xf32>
      tpu.vector_store %arg8[%swap3A_58, %swap3A_59], %swap3A_62 {strides = array<i32>} : memref<128x128xf32, #tpu.memory_space<vmem>>, vector<1x16xf32>,
      %broadcast_in_dim3A_63 = arith.constant 0.000000e+00 : f32
      %broadcast_in_dim3A_64 = vector.broadcast %broadcast_in_dim3A_63 : f32 to vector<16xf32>
      %swap3A_65 = arith.index_cast %scan3A_42 : i32 to index
      %swap3A_66 = arith.constant 48 : index
      %swap3A_67 = tpu.vector_load %arg8[%swap3A_65, %swap3A_66] {strides = array<i32>} : memref<128x128xf32, #tpu.memory_space<vmem>>, vector<1x16xf32>,
      %swap3A_68 = vector.shape_cast %swap3A_67 : vector<1x16xf32> to vector<16xf32>
      %swap3A_69 = vector.shape_cast %broadcast_in_dim3A_64 : vector<16xf32> to vector<1x16xf32>
      tpu.vector_store %arg8[%swap3A_65, %swap3A_66], %swap3A_69 {strides = array<i32>} : memref<128x128xf32, #tpu.memory_space<vmem>>, vector<1x16xf32>,
      %broadcast_in_dim3A_70 = arith.constant 0.000000e+00 : f32
      %broadcast_in_dim3A_71 = vector.broadcast %broadcast_in_dim3A_70 : f32 to vector<16xf32>
      %swap3A_72 = arith.index_cast %scan3A_42 : i32 to index
      %swap3A_73 = arith.constant 64 : index
      %swap3A_74 = tpu.vector_load %arg8[%swap3A_72, %swap3A_73] {strides = array<i32>} : memref<128x128xf32, #tpu.memory_space<vmem>>, vector<1x16xf32>,
      %swap3A_75 = vector.shape_cast %swap3A_74 : vector<1x16xf32> to vector<16xf32>
      %swap3A_76 = vector.shape_cast %broadcast_in_dim3A_71 : vector<16xf32> to vector<1x16xf32>
      tpu.vector_store %arg8[%swap3A_72, %swap3A_73], %swap3A_76 {strides = array<i32>} : memref<128x128xf32, #tpu.memory_space<vmem>>, vector<1x16xf32>,
      %broadcast_in_dim3A_77 = arith.constant 0.000000e+00 : f32
      %broadcast_in_dim3A_78 = vector.broadcast %broadcast_in_dim3A_77 : f32 to vector<16xf32>
      %swap3A_79 = arith.index_cast %scan3A_42 : i32 to index
      %swap3A_80 = arith.constant 80 : index
      %swap3A_81 = tpu.vector_load %arg8[%swap3A_79, %swap3A_80] {strides = array<i32>} : memref<128x128xf32, #tpu.memory_space<vmem>>, vector<1x16xf32>,
      %swap3A_82 = vector.shape_cast %swap3A_81 : vector<1x16xf32> to vector<16xf32>
      %swap3A_83 = vector.shape_cast %broadcast_in_dim3A_78 : vector<16xf32> to vector<1x16xf32>
      tpu.vector_store %arg8[%swap3A_79, %swap3A_80], %swap3A_83 {strides = array<i32>} : memref<128x128xf32, #tpu.memory_space<vmem>>, vector<1x16xf32>,
      %broadcast_in_dim3A_84 = arith.constant 0.000000e+00 : f32
      %broadcast_in_dim3A_85 = vector.broadcast %broadcast_in_dim3A_84 : f32 to vector<16xf32>
      %swap3A_86 = arith.index_cast %scan3A_42 : i32 to index
      %swap3A_87 = arith.constant 96 : index
      %swap3A_88 = tpu.vector_load %arg8[%swap3A_86, %swap3A_87] {strides = array<i32>} : memref<128x128xf32, #tpu.memory_space<vmem>>, vector<1x16xf32>,
      %swap3A_89 = vector.shape_cast %swap3A_88 : vector<1x16xf32> to vector<16xf32>
      %swap3A_90 = vector.shape_cast %broadcast_in_dim3A_85 : vector<16xf32> to vector<1x16xf32>
      tpu.vector_store %arg8[%swap3A_86, %swap3A_87], %swap3A_90 {strides = array<i32>} : memref<128x128xf32, #tpu.memory_space<vmem>>, vector<1x16xf32>,
      %broadcast_in_dim3A_91 = arith.constant 0.000000e+00 : f32
      %broadcast_in_dim3A_92 = vector.broadcast %broadcast_in_dim3A_91 : f32 to vector<16xf32>
      %swap3A_93 = arith.index_cast %scan3A_42 : i32 to index
      %swap3A_94 = arith.constant 112 : index
      %swap3A_95 = tpu.vector_load %arg8[%swap3A_93, %swap3A_94] {strides = array<i32>} : memref<128x128xf32, #tpu.memory_space<vmem>>, vector<1x16xf32>,
      %swap3A_96 = vector.shape_cast %swap3A_95 : vector<1x16xf32> to vector<16xf32>
      %swap3A_97 = vector.shape_cast %broadcast_in_dim3A_92 : vector<16xf32> to vector<1x16xf32>
      tpu.vector_store %arg8[%swap3A_93, %swap3A_94], %swap3A_97 {strides = array<i32>} : memref<128x128xf32, #tpu.memory_space<vmem>>, vector<1x16xf32>,
      %scan3A_98 = arith.constant 0 : i32
      scf.yield %scan3A_98 : i32
    }
    %scan3A_6 = arith.constant 128 : i32
    %mul3A_7 = arith.constant 640 : i32
    %mul3A_8 = arith.muli %arg1, %mul3A_7 : i32
    %add3A_9 = arith.constant 0 : i32
    %add3A_10 = arith.addi %mul3A_8, %add3A_9 : i32
    "tpu.region"() ({
      %run_scoped3A = tpu.sem_alloc : memref<!tpu.dma_semaphore, #tpu.memory_space<semaphore_mem>>
      %dma_start3A = arith.constant 0 : i32
      %dma_start3A_42 = tpu.memref_slice %arg10[%add3A_10, %dma_start3A] : memref<10240x128xf32, #tpu.memory_space<vmem_shared>> -> memref<128x128xf32, #tpu.memory_space<vmem_shared>>
      %dma_start3A_43 = arith.constant 0 : i32
      %dma_start3A_44 = tpu.memref_slice %arg10[%add3A_10, %dma_start3A_43] : memref<10240x128xf32, #tpu.memory_space<vmem_shared>> -> memref<128x128xf32, #tpu.memory_space<vmem_shared>>
      tpu.enqueue_dma source(%arg8 : memref<128x128xf32, #tpu.memory_space<vmem>>) target(%dma_start3A_44 : memref<128x128xf32, #tpu.memory_space<vmem_shared>>) target_semaphore(%run_scoped3A : memref<!tpu.dma_semaphore, #tpu.memory_space<semaphore_mem>>)
      %dma_wait3A = arith.constant 0 : i32
      %dma_wait3A_45 = tpu.memref_slice %arg10[%add3A_10, %dma_wait3A] : memref<10240x128xf32, #tpu.memory_space<vmem_shared>> -> memref<128x128xf32, #tpu.memory_space<vmem_shared>>
      %dma_wait3A_46 = arith.constant 0 : i32
      %dma_wait3A_47 = tpu.memref_slice %arg10[%add3A_10, %dma_wait3A_46] : memref<10240x128xf32, #tpu.memory_space<vmem_shared>> -> memref<128x128xf32, #tpu.memory_space<vmem_shared>>
      tpu.wait_dma2 semaphore(%run_scoped3A : memref<!tpu.dma_semaphore, #tpu.memory_space<semaphore_mem>>) src(%arg8 : memref<128x128xf32, #tpu.memory_space<vmem>>) dst(%dma_wait3A_47 : memref<128x128xf32, #tpu.memory_space<vmem_shared>>)
      tpu.yield
    }) : () -> ()
    %mul3A_11 = arith.constant 640 : i32
    %mul3A_12 = arith.muli %arg1, %mul3A_11 : i32
    %add3A_13 = arith.constant 128 : i32
    %add3A_14 = arith.addi %mul3A_12, %add3A_13 : i32
    "tpu.region"() ({
      %run_scoped3A = tpu.sem_alloc : memref<!tpu.dma_semaphore, #tpu.memory_space<semaphore_mem>>
      %dma_start3A = arith.constant 0 : i32
      %dma_start3A_42 = tpu.memref_slice %arg10[%add3A_14, %dma_start3A] : memref<10240x128xf32, #tpu.memory_space<vmem_shared>> -> memref<128x128xf32, #tpu.memory_space<vmem_shared>>
      %dma_start3A_43 = arith.constant 0 : i32
      %dma_start3A_44 = tpu.memref_slice %arg10[%add3A_14, %dma_start3A_43] : memref<10240x128xf32, #tpu.memory_space<vmem_shared>> -> memref<128x128xf32, #tpu.memory_space<vmem_shared>>
      tpu.enqueue_dma source(%arg8 : memref<128x128xf32, #tpu.memory_space<vmem>>) target(%dma_start3A_44 : memref<128x128xf32, #tpu.memory_space<vmem_shared>>) target_semaphore(%run_scoped3A : memref<!tpu.dma_semaphore, #tpu.memory_space<semaphore_mem>>)
      %dma_wait3A = arith.constant 0 : i32
      %dma_wait3A_45 = tpu.memref_slice %arg10[%add3A_14, %dma_wait3A] : memref<10240x128xf32, #tpu.memory_space<vmem_shared>> -> memref<128x128xf32, #tpu.memory_space<vmem_shared>>
      %dma_wait3A_46 = arith.constant 0 : i32
      %dma_wait3A_47 = tpu.memref_slice %arg10[%add3A_14, %dma_wait3A_46] : memref<10240x128xf32, #tpu.memory_space<vmem_shared>> -> memref<128x128xf32, #tpu.memory_space<vmem_shared>>
      tpu.wait_dma2 semaphore(%run_scoped3A : memref<!tpu.dma_semaphore, #tpu.memory_space<semaphore_mem>>) src(%arg8 : memref<128x128xf32, #tpu.memory_space<vmem>>) dst(%dma_wait3A_47 : memref<128x128xf32, #tpu.memory_space<vmem_shared>>)
      tpu.yield
    }) : () -> ()
    %mul3A_15 = arith.constant 640 : i32
    %mul3A_16 = arith.muli %arg1, %mul3A_15 : i32
    %add3A_17 = arith.constant 256 : i32
    %add3A_18 = arith.addi %mul3A_16, %add3A_17 : i32
    "tpu.region"() ({
      %run_scoped3A = tpu.sem_alloc : memref<!tpu.dma_semaphore, #tpu.memory_space<semaphore_mem>>
      %dma_start3A = arith.constant 0 : i32
      %dma_start3A_42 = tpu.memref_slice %arg10[%add3A_18, %dma_start3A] : memref<10240x128xf32, #tpu.memory_space<vmem_shared>> -> memref<128x128xf32, #tpu.memory_space<vmem_shared>>
      %dma_start3A_43 = arith.constant 0 : i32
      %dma_start3A_44 = tpu.memref_slice %arg10[%add3A_18, %dma_start3A_43] : memref<10240x128xf32, #tpu.memory_space<vmem_shared>> -> memref<128x128xf32, #tpu.memory_space<vmem_shared>>
      tpu.enqueue_dma source(%arg8 : memref<128x128xf32, #tpu.memory_space<vmem>>) target(%dma_start3A_44 : memref<128x128xf32, #tpu.memory_space<vmem_shared>>) target_semaphore(%run_scoped3A : memref<!tpu.dma_semaphore, #tpu.memory_space<semaphore_mem>>)
      %dma_wait3A = arith.constant 0 : i32
      %dma_wait3A_45 = tpu.memref_slice %arg10[%add3A_18, %dma_wait3A] : memref<10240x128xf32, #tpu.memory_space<vmem_shared>> -> memref<128x128xf32, #tpu.memory_space<vmem_shared>>
      %dma_wait3A_46 = arith.constant 0 : i32
      %dma_wait3A_47 = tpu.memref_slice %arg10[%add3A_18, %dma_wait3A_46] : memref<10240x128xf32, #tpu.memory_space<vmem_shared>> -> memref<128x128xf32, #tpu.memory_space<vmem_shared>>
      tpu.wait_dma2 semaphore(%run_scoped3A : memref<!tpu.dma_semaphore, #tpu.memory_space<semaphore_mem>>) src(%arg8 : memref<128x128xf32, #tpu.memory_space<vmem>>) dst(%dma_wait3A_47 : memref<128x128xf32, #tpu.memory_space<vmem_shared>>)
      tpu.yield
    }) : () -> ()
    %mul3A_19 = arith.constant 640 : i32
    %mul3A_20 = arith.muli %arg1, %mul3A_19 : i32
    %add3A_21 = arith.constant 384 : i32
    %add3A_22 = arith.addi %mul3A_20, %add3A_21 : i32
    "tpu.region"() ({
      %run_scoped3A = tpu.sem_alloc : memref<!tpu.dma_semaphore, #tpu.memory_space<semaphore_mem>>
      %dma_start3A = arith.constant 0 : i32
      %dma_start3A_42 = tpu.memref_slice %arg10[%add3A_22, %dma_start3A] : memref<10240x128xf32, #tpu.memory_space<vmem_shared>> -> memref<128x128xf32, #tpu.memory_space<vmem_shared>>
      %dma_start3A_43 = arith.constant 0 : i32
      %dma_start3A_44 = tpu.memref_slice %arg10[%add3A_22, %dma_start3A_43] : memref<10240x128xf32, #tpu.memory_space<vmem_shared>> -> memref<128x128xf32, #tpu.memory_space<vmem_shared>>
      tpu.enqueue_dma source(%arg8 : memref<128x128xf32, #tpu.memory_space<vmem>>) target(%dma_start3A_44 : memref<128x128xf32, #tpu.memory_space<vmem_shared>>) target_semaphore(%run_scoped3A : memref<!tpu.dma_semaphore, #tpu.memory_space<semaphore_mem>>)
      %dma_wait3A = arith.constant 0 : i32
      %dma_wait3A_45 = tpu.memref_slice %arg10[%add3A_22, %dma_wait3A] : memref<10240x128xf32, #tpu.memory_space<vmem_shared>> -> memref<128x128xf32, #tpu.memory_space<vmem_shared>>
      %dma_wait3A_46 = arith.constant 0 : i32
      %dma_wait3A_47 = tpu.memref_slice %arg10[%add3A_22, %dma_wait3A_46] : memref<10240x128xf32, #tpu.memory_space<vmem_shared>> -> memref<128x128xf32, #tpu.memory_space<vmem_shared>>
      tpu.wait_dma2 semaphore(%run_scoped3A : memref<!tpu.dma_semaphore, #tpu.memory_space<semaphore_mem>>) src(%arg8 : memref<128x128xf32, #tpu.memory_space<vmem>>) dst(%dma_wait3A_47 : memref<128x128xf32, #tpu.memory_space<vmem_shared>>)
      tpu.yield
    }) : () -> ()
    %mul3A_23 = arith.constant 640 : i32
    %mul3A_24 = arith.muli %arg1, %mul3A_23 : i32
    %add3A_25 = arith.constant 512 : i32
    %add3A_26 = arith.addi %mul3A_24, %add3A_25 : i32
    "tpu.region"() ({
      %run_scoped3A = tpu.sem_alloc : memref<!tpu.dma_semaphore, #tpu.memory_space<semaphore_mem>>
      %dma_start3A = arith.constant 0 : i32
      %dma_start3A_42 = tpu.memref_slice %arg10[%add3A_26, %dma_start3A] : memref<10240x128xf32, #tpu.memory_space<vmem_shared>> -> memref<128x128xf32, #tpu.memory_space<vmem_shared>>
      %dma_start3A_43 = arith.constant 0 : i32
      %dma_start3A_44 = tpu.memref_slice %arg10[%add3A_26, %dma_start3A_43] : memref<10240x128xf32, #tpu.memory_space<vmem_shared>> -> memref<128x128xf32, #tpu.memory_space<vmem_shared>>
      tpu.enqueue_dma source(%arg8 : memref<128x128xf32, #tpu.memory_space<vmem>>) target(%dma_start3A_44 : memref<128x128xf32, #tpu.memory_space<vmem_shared>>) target_semaphore(%run_scoped3A : memref<!tpu.dma_semaphore, #tpu.memory_space<semaphore_mem>>)
      %dma_wait3A = arith.constant 0 : i32
      %dma_wait3A_45 = tpu.memref_slice %arg10[%add3A_26, %dma_wait3A] : memref<10240x128xf32, #tpu.memory_space<vmem_shared>> -> memref<128x128xf32, #tpu.memory_space<vmem_shared>>
      %dma_wait3A_46 = arith.constant 0 : i32
      %dma_wait3A_47 = tpu.memref_slice %arg10[%add3A_26, %dma_wait3A_46] : memref<10240x128xf32, #tpu.memory_space<vmem_shared>> -> memref<128x128xf32, #tpu.memory_space<vmem_shared>>
      tpu.wait_dma2 semaphore(%run_scoped3A : memref<!tpu.dma_semaphore, #tpu.memory_space<semaphore_mem>>) src(%arg8 : memref<128x128xf32, #tpu.memory_space<vmem>>) dst(%dma_wait3A_47 : memref<128x128xf32, #tpu.memory_space<vmem_shared>>)
      tpu.yield
    }) : () -> ()
    %barrier3A = arith.constant 0 : index
    tpu.barrier barrier_id(%barrier3A)
    %scan3A_27 = arith.constant 0 : i32
    %scan3A_28 = arith.constant 0 : i32
    %scan3A_29 = arith.constant 2 : i32
    %scan3A_30 = arith.addi %scan3A_28, %scan3A_29 : i32
    %scan3A_31 = arith.constant 1 : i32
    %scan3A_32 = scf.for %scan3A_42 = %scan3A_28 to %scan3A_30 step %scan3A_31 iter_args(%scan3A_43 = %scan3A_27) -> (i32)  : i32 {
      %mul3A_44 = arith.constant 40 : i32
      %mul3A_45 = arith.muli %scan3A_42, %mul3A_44 : i32
      "tpu.region"() ({
        %run_scoped3A = tpu.sem_alloc : memref<!tpu.dma_semaphore, #tpu.memory_space<semaphore_mem>>
        %dma_start3A = arith.constant 0 : i32
        %dma_start3A_56 = tpu.memref_slice %arg3[%add3A, %mul3A_45, %dma_start3A] : memref<32x80x128xi32, #tpu.memory_space<hbm>> -> memref<1x40x128xi32, #tpu.memory_space<hbm>>
        %dma_start3A_57 = tpu.memref_squeeze %dma_start3A_56 : memref<1x40x128xi32, #tpu.memory_space<hbm>> -> memref<40x128xi32, #tpu.memory_space<hbm>>
        %dma_start3A_58 = arith.constant 0 : i32
        %dma_start3A_59 = tpu.memref_slice %arg3[%add3A, %mul3A_45, %dma_start3A_58] : memref<32x80x128xi32, #tpu.memory_space<hbm>> -> memref<1x40x128xi32, #tpu.memory_space<hbm>>
        %dma_start3A_60 = tpu.memref_squeeze %dma_start3A_59 : memref<1x40x128xi32, #tpu.memory_space<hbm>> -> memref<40x128xi32, #tpu.memory_space<hbm>>
        tpu.enqueue_dma source(%dma_start3A_60 : memref<40x128xi32, #tpu.memory_space<hbm>>) target(%arg6 : memref<40x128xi32, #tpu.memory_space<vmem>>) target_semaphore(%run_scoped3A : memref<!tpu.dma_semaphore, #tpu.memory_space<semaphore_mem>>)
        %dma_wait3A = arith.constant 0 : i32
        %dma_wait3A_61 = tpu.memref_slice %arg3[%add3A, %mul3A_45, %dma_wait3A] : memref<32x80x128xi32, #tpu.memory_space<hbm>> -> memref<1x40x128xi32, #tpu.memory_space<hbm>>
        %dma_wait3A_62 = tpu.memref_squeeze %dma_wait3A_61 : memref<1x40x128xi32, #tpu.memory_space<hbm>> -> memref<40x128xi32, #tpu.memory_space<hbm>>
        %dma_wait3A_63 = arith.constant 0 : i32
        %dma_wait3A_64 = tpu.memref_slice %arg3[%add3A, %mul3A_45, %dma_wait3A_63] : memref<32x80x128xi32, #tpu.memory_space<hbm>> -> memref<1x40x128xi32, #tpu.memory_space<hbm>>
        %dma_wait3A_65 = tpu.memref_squeeze %dma_wait3A_64 : memref<1x40x128xi32, #tpu.memory_space<hbm>> -> memref<40x128xi32, #tpu.memory_space<hbm>>
        tpu.wait_dma2 semaphore(%run_scoped3A : memref<!tpu.dma_semaphore, #tpu.memory_space<semaphore_mem>>) src(%dma_wait3A_65 : memref<40x128xi32, #tpu.memory_space<hbm>>) dst(%arg6 : memref<40x128xi32, #tpu.memory_space<vmem>>)
        tpu.yield
      }) : () -> ()
      %mul3A_46 = arith.constant 40 : i32
      %mul3A_47 = arith.muli %scan3A_42, %mul3A_46 : i32
      "tpu.region"() ({
        %run_scoped3A = tpu.sem_alloc : memref<!tpu.dma_semaphore, #tpu.memory_space<semaphore_mem>>
        %dma_start3A = arith.constant 0 : i32
        %dma_start3A_56 = tpu.memref_slice %arg4[%arg1, %mul3A_47, %dma_start3A] : memref<16x80x128xi32, #tpu.memory_space<hbm>> -> memref<1x40x128xi32, #tpu.memory_space<hbm>>
        %dma_start3A_57 = tpu.memref_squeeze %dma_start3A_56 : memref<1x40x128xi32, #tpu.memory_space<hbm>> -> memref<40x128xi32, #tpu.memory_space<hbm>>
        %dma_start3A_58 = arith.constant 0 : i32
        %dma_start3A_59 = tpu.memref_slice %arg4[%arg1, %mul3A_47, %dma_start3A_58] : memref<16x80x128xi32, #tpu.memory_space<hbm>> -> memref<1x40x128xi32, #tpu.memory_space<hbm>>
        %dma_start3A_60 = tpu.memref_squeeze %dma_start3A_59 : memref<1x40x128xi32, #tpu.memory_space<hbm>> -> memref<40x128xi32, #tpu.memory_space<hbm>>
        tpu.enqueue_dma source(%dma_start3A_60 : memref<40x128xi32, #tpu.memory_space<hbm>>) target(%arg7 : memref<40x128xi32, #tpu.memory_space<vmem>>) target_semaphore(%run_scoped3A : memref<!tpu.dma_semaphore, #tpu.memory_space<semaphore_mem>>)
        %dma_wait3A = arith.constant 0 : i32
        %dma_wait3A_61 = tpu.memref_slice %arg4[%arg1, %mul3A_47, %dma_wait3A] : memref<16x80x128xi32, #tpu.memory_space<hbm>> -> memref<1x40x128xi32, #tpu.memory_space<hbm>>
        %dma_wait3A_62 = tpu.memref_squeeze %dma_wait3A_61 : memref<1x40x128xi32, #tpu.memory_space<hbm>> -> memref<40x128xi32, #tpu.memory_space<hbm>>
        %dma_wait3A_63 = arith.constant 0 : i32
        %dma_wait3A_64 = tpu.memref_slice %arg4[%arg1, %mul3A_47, %dma_wait3A_63] : memref<16x80x128xi32, #tpu.memory_space<hbm>> -> memref<1x40x128xi32, #tpu.memory_space<hbm>>
        %dma_wait3A_65 = tpu.memref_squeeze %dma_wait3A_64 : memref<1x40x128xi32, #tpu.memory_space<hbm>> -> memref<40x128xi32, #tpu.memory_space<hbm>>
        tpu.wait_dma2 semaphore(%run_scoped3A : memref<!tpu.dma_semaphore, #tpu.memory_space<semaphore_mem>>) src(%dma_wait3A_65 : memref<40x128xi32, #tpu.memory_space<hbm>>) dst(%arg7 : memref<40x128xi32, #tpu.memory_space<vmem>>)
        tpu.yield
      }) : () -> ()
      %scan3A_48 = arith.constant 0 : i32
      %scan3A_49 = arith.constant 0 : i32
      %scan3A_50 = arith.constant 20 : i32
      %scan3A_51 = arith.addi %scan3A_49, %scan3A_50 : i32
      %scan3A_52 = arith.constant 1 : i32
      %scan3A_53 = scf.for %scan3A_56 = %scan3A_49 to %scan3A_51 step %scan3A_52 iter_args(%scan3A_57 = %scan3A_48) -> (i32)  : i32 {
        %mul3A_58 = arith.constant 2 : i32
        %mul3A_59 = arith.muli %mul3A_58, %scan3A_56 : i32
        %dma_start3A = arith.constant 0 : i32
        %dma_start3A_60 = tpu.memref_slice %arg6[%mul3A_59, %dma_start3A] : memref<40x128xi32, #tpu.memory_space<vmem>> -> memref<1x128xi32, #tpu.memory_space<vmem>>
        %dma_start3A_61 = tpu.memref_squeeze %dma_start3A_60 : memref<1x128xi32, #tpu.memory_space<vmem>> -> memref<128xi32, #tpu.memory_space<vmem>>
        %dma_start3A_62 = arith.constant 0 : i32
        %dma_start3A_63 = arith.constant 0 : i32
        %dma_start3A_64 = tpu.memref_slice %arg2[%dma_start3A_62, %dma_start3A_63] : memref<20480x128xf32, #tpu.memory_space<hbm>> -> memref<20480x128xf32, #tpu.memory_space<hbm>>
        tpu.enqueue_indirect_dma source(%dma_start3A_64 : memref<20480x128xf32, #tpu.memory_space<hbm>>) target(%arg8 : memref<128x128xf32, #tpu.memory_space<vmem>>) offsets(%dma_start3A_61 : memref<128xi32, #tpu.memory_space<vmem>>) semaphore(%arg11 : memref<!tpu.dma_semaphore, #tpu.memory_space<semaphore_mem>>)
        %add3A_65 = arith.constant 1 : i32
        %add3A_66 = arith.addi %mul3A_59, %add3A_65 : i32
        %dma_start3A_67 = arith.constant 0 : i32
        %dma_start3A_68 = tpu.memref_slice %arg6[%add3A_66, %dma_start3A_67] : memref<40x128xi32, #tpu.memory_space<vmem>> -> memref<1x128xi32, #tpu.memory_space<vmem>>
        %dma_start3A_69 = tpu.memref_squeeze %dma_start3A_68 : memref<1x128xi32, #tpu.memory_space<vmem>> -> memref<128xi32, #tpu.memory_space<vmem>>
        %dma_start3A_70 = arith.constant 0 : i32
        %dma_start3A_71 = arith.constant 0 : i32
        %dma_start3A_72 = tpu.memref_slice %arg2[%dma_start3A_70, %dma_start3A_71] : memref<20480x128xf32, #tpu.memory_space<hbm>> -> memref<20480x128xf32, #tpu.memory_space<hbm>>
        tpu.enqueue_indirect_dma source(%dma_start3A_72 : memref<20480x128xf32, #tpu.memory_space<hbm>>) target(%arg9 : memref<128x128xf32, #tpu.memory_space<vmem>>) offsets(%dma_start3A_69 : memref<128xi32, #tpu.memory_space<vmem>>) semaphore(%arg12 : memref<!tpu.dma_semaphore, #tpu.memory_space<semaphore_mem>>)
        %dma_wait3A = arith.constant 0 : i32
        %dma_wait3A_73 = tpu.memref_slice %arg6[%mul3A_59, %dma_wait3A] : memref<40x128xi32, #tpu.memory_space<vmem>> -> memref<1x128xi32, #tpu.memory_space<vmem>>
        %dma_wait3A_74 = tpu.memref_squeeze %dma_wait3A_73 : memref<1x128xi32, #tpu.memory_space<vmem>> -> memref<128xi32, #tpu.memory_space<vmem>>
        %dma_wait3A_75 = arith.constant 0 : i32
        %dma_wait3A_76 = arith.constant 0 : i32
        %dma_wait3A_77 = tpu.memref_slice %arg2[%dma_wait3A_75, %dma_wait3A_76] : memref<20480x128xf32, #tpu.memory_space<hbm>> -> memref<20480x128xf32, #tpu.memory_space<hbm>>
        tpu.wait_indirect_dma semaphore(%arg11 : memref<!tpu.dma_semaphore, #tpu.memory_space<semaphore_mem>>) src(%dma_wait3A_77 : memref<20480x128xf32, #tpu.memory_space<hbm>>) dst(%arg8 : memref<128x128xf32, #tpu.memory_space<vmem>>)
        "tpu.region"() ({
          %run_scoped3A = tpu.sem_alloc : memref<!tpu.dma_semaphore, #tpu.memory_space<semaphore_mem>>
          %dma_start3A_87 = arith.constant 0 : i32
          %dma_start3A_88 = tpu.memref_slice %arg7[%mul3A_59, %dma_start3A_87] : memref<40x128xi32, #tpu.memory_space<vmem>> -> memref<1x128xi32, #tpu.memory_space<vmem>>
          %dma_start3A_89 = tpu.memref_squeeze %dma_start3A_88 : memref<1x128xi32, #tpu.memory_space<vmem>> -> memref<128xi32, #tpu.memory_space<vmem>>
          %dma_start3A_90 = arith.constant 0 : i32
          %dma_start3A_91 = arith.constant 0 : i32
          %dma_start3A_92 = tpu.memref_slice %arg10[%dma_start3A_90, %dma_start3A_91] : memref<10240x128xf32, #tpu.memory_space<vmem_shared>> -> memref<10240x128xf32, #tpu.memory_space<vmem_shared>>
          tpu.enqueue_indirect_dma source(%arg8 : memref<128x128xf32, #tpu.memory_space<vmem>>) target(%dma_start3A_92 : memref<10240x128xf32, #tpu.memory_space<vmem_shared>>) offsets(%dma_start3A_89 : memref<128xi32, #tpu.memory_space<vmem>>) semaphore(%run_scoped3A : memref<!tpu.dma_semaphore, #tpu.memory_space<semaphore_mem>>) {add = true}
          %dma_wait3A_93 = arith.constant 0 : i32
          %dma_wait3A_94 = tpu.memref_slice %arg7[%mul3A_59, %dma_wait3A_93] : memref<40x128xi32, #tpu.memory_space<vmem>> -> memref<1x128xi32, #tpu.memory_space<vmem>>
          %dma_wait3A_95 = tpu.memref_squeeze %dma_wait3A_94 : memref<1x128xi32, #tpu.memory_space<vmem>> -> memref<128xi32, #tpu.memory_space<vmem>>
          %dma_wait3A_96 = arith.constant 0 : i32
          %dma_wait3A_97 = arith.constant 0 : i32
          %dma_wait3A_98 = tpu.memref_slice %arg10[%dma_wait3A_96, %dma_wait3A_97] : memref<10240x128xf32, #tpu.memory_space<vmem_shared>> -> memref<10240x128xf32, #tpu.memory_space<vmem_shared>>
          tpu.wait_indirect_dma semaphore(%run_scoped3A : memref<!tpu.dma_semaphore, #tpu.memory_space<semaphore_mem>>) src(%arg8 : memref<128x128xf32, #tpu.memory_space<vmem>>) dst(%dma_wait3A_98 : memref<10240x128xf32, #tpu.memory_space<vmem_shared>>)
          tpu.yield
        }) : () -> ()
        %dma_wait3A_78 = arith.constant 0 : i32
        %dma_wait3A_79 = tpu.memref_slice %arg6[%add3A_66, %dma_wait3A_78] : memref<40x128xi32, #tpu.memory_space<vmem>> -> memref<1x128xi32, #tpu.memory_space<vmem>>
        %dma_wait3A_80 = tpu.memref_squeeze %dma_wait3A_79 : memref<1x128xi32, #tpu.memory_space<vmem>> -> memref<128xi32, #tpu.memory_space<vmem>>
        %dma_wait3A_81 = arith.constant 0 : i32
        %dma_wait3A_82 = arith.constant 0 : i32
        %dma_wait3A_83 = tpu.memref_slice %arg2[%dma_wait3A_81, %dma_wait3A_82] : memref<20480x128xf32, #tpu.memory_space<hbm>> -> memref<20480x128xf32, #tpu.memory_space<hbm>>
        tpu.wait_indirect_dma semaphore(%arg12 : memref<!tpu.dma_semaphore, #tpu.memory_space<semaphore_mem>>) src(%dma_wait3A_83 : memref<20480x128xf32, #tpu.memory_space<hbm>>) dst(%arg9 : memref<128x128xf32, #tpu.memory_space<vmem>>)
        %add3A_84 = arith.constant 1 : i32
        %add3A_85 = arith.addi %mul3A_59, %add3A_84 : i32
        "tpu.region"() ({
          %run_scoped3A = tpu.sem_alloc : memref<!tpu.dma_semaphore, #tpu.memory_space<semaphore_mem>>
          %dma_start3A_87 = arith.constant 0 : i32
          %dma_start3A_88 = tpu.memref_slice %arg7[%add3A_85, %dma_start3A_87] : memref<40x128xi32, #tpu.memory_space<vmem>> -> memref<1x128xi32, #tpu.memory_space<vmem>>
          %dma_start3A_89 = tpu.memref_squeeze %dma_start3A_88 : memref<1x128xi32, #tpu.memory_space<vmem>> -> memref<128xi32, #tpu.memory_space<vmem>>
          %dma_start3A_90 = arith.constant 0 : i32
          %dma_start3A_91 = arith.constant 0 : i32
          %dma_start3A_92 = tpu.memref_slice %arg10[%dma_start3A_90, %dma_start3A_91] : memref<10240x128xf32, #tpu.memory_space<vmem_shared>> -> memref<10240x128xf32, #tpu.memory_space<vmem_shared>>
          tpu.enqueue_indirect_dma source(%arg9 : memref<128x128xf32, #tpu.memory_space<vmem>>) target(%dma_start3A_92 : memref<10240x128xf32, #tpu.memory_space<vmem_shared>>) offsets(%dma_start3A_89 : memref<128xi32, #tpu.memory_space<vmem>>) semaphore(%run_scoped3A : memref<!tpu.dma_semaphore, #tpu.memory_space<semaphore_mem>>) {add = true}
          %dma_wait3A_93 = arith.constant 0 : i32
          %dma_wait3A_94 = tpu.memref_slice %arg7[%add3A_85, %dma_wait3A_93] : memref<40x128xi32, #tpu.memory_space<vmem>> -> memref<1x128xi32, #tpu.memory_space<vmem>>
          %dma_wait3A_95 = tpu.memref_squeeze %dma_wait3A_94 : memref<1x128xi32, #tpu.memory_space<vmem>> -> memref<128xi32, #tpu.memory_space<vmem>>
          %dma_wait3A_96 = arith.constant 0 : i32
          %dma_wait3A_97 = arith.constant 0 : i32
          %dma_wait3A_98 = tpu.memref_slice %arg10[%dma_wait3A_96, %dma_wait3A_97] : memref<10240x128xf32, #tpu.memory_space<vmem_shared>> -> memref<10240x128xf32, #tpu.memory_space<vmem_shared>>
          tpu.wait_indirect_dma semaphore(%run_scoped3A : memref<!tpu.dma_semaphore, #tpu.memory_space<semaphore_mem>>) src(%arg9 : memref<128x128xf32, #tpu.memory_space<vmem>>) dst(%dma_wait3A_98 : memref<10240x128xf32, #tpu.memory_space<vmem_shared>>)
          tpu.yield
        }) : () -> ()
        %scan3A_86 = arith.constant 0 : i32
        scf.yield %scan3A_86 : i32
      }
      %scan3A_54 = arith.constant 20 : i32
      %scan3A_55 = arith.constant 0 : i32
      scf.yield %scan3A_55 : i32
    }
    %scan3A_33 = arith.constant 2 : i32
    %barrier3A_34 = arith.constant 0 : index
    tpu.barrier barrier_id(%barrier3A_34)
    %mul3A_35 = arith.constant 640 : i32
    %mul3A_36 = arith.muli %arg1, %mul3A_35 : i32
    %mul3A_37 = arith.constant 10240 : i32
    %mul3A_38 = arith.muli %arg0, %mul3A_37 : i32
    %mul3A_39 = arith.constant 640 : i32
    %mul3A_40 = arith.muli %arg1, %mul3A_39 : i32
    %add3A_41 = arith.addi %mul3A_38, %mul3A_40 : i32
    "tpu.region"() ({
      %run_scoped3A = tpu.sem_alloc : memref<!tpu.dma_semaphore, #tpu.memory_space<semaphore_mem>>
      %dma_start3A = arith.constant 0 : i32
      %dma_start3A_42 = tpu.memref_slice %arg5[%add3A_41, %dma_start3A] : memref<20480x128xf32, #tpu.memory_space<hbm>> -> memref<640x128xf32, #tpu.memory_space<hbm>>
      %dma_start3A_43 = arith.constant 0 : i32
      %dma_start3A_44 = tpu.memref_slice %arg10[%mul3A_36, %dma_start3A_43] : memref<10240x128xf32, #tpu.memory_space<vmem_shared>> -> memref<640x128xf32, #tpu.memory_space<vmem_shared>>
      tpu.enqueue_dma source(%dma_start3A_44 : memref<640x128xf32, #tpu.memory_space<vmem_shared>>) target(%dma_start3A_42 : memref<640x128xf32, #tpu.memory_space<hbm>>) target_semaphore(%run_scoped3A : memref<!tpu.dma_semaphore, #tpu.memory_space<semaphore_mem>>)
      %dma_wait3A = arith.constant 0 : i32
      %dma_wait3A_45 = tpu.memref_slice %arg5[%add3A_41, %dma_wait3A] : memref<20480x128xf32, #tpu.memory_space<hbm>> -> memref<640x128xf32, #tpu.memory_space<hbm>>
      %dma_wait3A_46 = arith.constant 0 : i32
      %dma_wait3A_47 = tpu.memref_slice %arg10[%mul3A_36, %dma_wait3A_46] : memref<10240x128xf32, #tpu.memory_space<vmem_shared>> -> memref<640x128xf32, #tpu.memory_space<vmem_shared>>
      tpu.wait_dma2 semaphore(%run_scoped3A : memref<!tpu.dma_semaphore, #tpu.memory_space<semaphore_mem>>) src(%dma_wait3A_47 : memref<640x128xf32, #tpu.memory_space<vmem_shared>>) dst(%dma_wait3A_45 : memref<640x128xf32, #tpu.memory_space<hbm>>)
      tpu.yield
    }) : () -> ()
    return
  }
}

module attributes {stable_mosaic.version = 14 : i64} {
  func.func @_mmA_body(%arg0: i32, %arg1: memref<2000x16xf32, #tpu.memory_space<vmem>>, %arg2: memref<2000x16xf32, #tpu.memory_space<vmem>>, %arg3: memref<2000x256xf32, #tpu.memory_space<vmem>>, %arg4: memref<256x256xf32, #tpu.memory_space<vmem>>, %arg5: memref<256xf32, #tpu.memory_space<vmem>>, %arg6: memref<2x2000x128xf32, #tpu.memory_space<vmem>>, %arg7: memref<2000x256xf32, #tpu.memory_space<vmem>>) attributes {dimension_semantics = [#tpu.dimension_semantics<arbitrary>], iteration_bounds = array<i64: 5>, scalar_prefetch = 0 : i64, scratch_operands = 0 : i64, tpu.core_type = #tpu.core_type<tc>, window_params = [{transform_indices = @transform_0, window_bounds = array<i64: 2000, 16>}, {transform_indices = @transform_1, window_bounds = array<i64: 2000, 16>}, {transform_indices = @transform_2, window_bounds = array<i64: 2000, 256>}, {pipeline_mode = #tpu.pipeline_mode<synchronous>, transform_indices = @transform_3, window_bounds = array<i64: 256, 256>}, {pipeline_mode = #tpu.pipeline_mode<synchronous>, transform_indices = @transform_4, window_bounds = array<i64: 256>}, {transform_indices = @transform_5, window_bounds = array<i64: 2, 2000, 128>}, {transform_indices = @transform_6, window_bounds = array<i64: 2000, 256>}]} {
    %get3A = arith.constant 0 : index
    %get3A_0 = arith.constant 0 : index
    %get3A_1 = vector.load %arg1[%get3A, %get3A_0] : memref<2000x16xf32, #tpu.memory_space<vmem>>, vector<2000x16xf32>
    %get3A_2 = arith.constant 0 : index
    %get3A_3 = arith.constant 0 : index
    %get3A_4 = vector.load %arg2[%get3A_2, %get3A_3] : memref<2000x16xf32, #tpu.memory_space<vmem>>, vector<2000x16xf32>
    %slice3A = vector.extract_strided_slice %get3A_1 {offsets = [0, 0], sizes = [2000, 1], strides = [1, 1]} : vector<2000x16xf32> to vector<2000x1xf32>
    %slice3A_5 = vector.extract_strided_slice %get3A_4 {offsets = [0, 0], sizes = [2000, 1], strides = [1, 1]} : vector<2000x16xf32> to vector<2000x1xf32>
    %add3A = arith.addf %slice3A, %slice3A_5 : vector<2000x1xf32>
    %add3A_6 = arith.constant 1.000000e+00 : f32
    %add3A_7 = vector.broadcast %add3A_6 : f32 to vector<2000x1xf32>
    %add3A_8 = arith.addf %add3A, %add3A_7 : vector<2000x1xf32>
    %rsqrt3A = math.rsqrt %add3A_8 : vector<2000x1xf32>
    %div3A = arith.constant 1.000000e+00 : f32
    %div3A_9 = vector.broadcast %div3A : f32 to vector<2000x1xf32>
    %div3A_10 = arith.divf %div3A_9, %add3A_8 : vector<2000x1xf32>
    %get3A_11 = arith.constant 0 : index
    %get3A_12 = arith.constant 0 : index
    %get3A_13 = vector.load %arg3[%get3A_11, %get3A_12] : memref<2000x256xf32, #tpu.memory_space<vmem>>, vector<2000x256xf32>
    %get3A_14 = arith.constant 0 : index
    %get3A_15 = arith.constant 0 : index
    %get3A_16 = vector.load %arg4[%get3A_14, %get3A_15] : memref<256x256xf32, #tpu.memory_space<vmem>>, vector<256x256xf32>
    %dot_general3A = arith.constant dense<0.000000e+00> : vector<2000x256xf32>
    %dot_general3A_17 = tpu.matmul %get3A_13, %get3A_16, %dot_general3A {dimension_numbers = #tpu.dot_dimension_numbers<[1], [0], [0], [1], [0, 0, 1, 1], [], []>, transpose_lhs_hint = false} : vector<2000x256xf32>, vector<256x256xf32>, vector<2000x256xf32> -> vector<2000x256xf32>
    %slice3A_18 = vector.extract_strided_slice %dot_general3A_17 {offsets = [0, 0], sizes = [2000, 128], strides = [1, 1]} : vector<2000x256xf32> to vector<2000x128xf32>
    %mul3A = vector.broadcast %rsqrt3A : vector<2000x1xf32> to vector<2000x128xf32>
    %mul3A_19 = arith.mulf %mul3A, %slice3A_18 : vector<2000x128xf32>
    %swap3A = arith.constant 0 : index
    %swap3A_20 = arith.constant 0 : index
    %swap3A_21 = arith.constant 0 : index
    %swap3A_22 = vector.load %arg6[%swap3A, %swap3A_20, %swap3A_21] : memref<2x2000x128xf32, #tpu.memory_space<vmem>>, vector<1x2000x128xf32>
    %swap3A_23 = vector.shape_cast %swap3A_22 : vector<1x2000x128xf32> to vector<2000x128xf32>
    %swap3A_24 = vector.shape_cast %mul3A_19 : vector<2000x128xf32> to vector<1x2000x128xf32>
    tpu.vector_store %arg6[%swap3A, %swap3A_20, %swap3A_21], %swap3A_24 {strides = array<i32>} : memref<2x2000x128xf32, #tpu.memory_space<vmem>>, vector<1x2000x128xf32>,
    %slice3A_25 = vector.extract_strided_slice %dot_general3A_17 {offsets = [0, 128], sizes = [2000, 128], strides = [1, 1]} : vector<2000x256xf32> to vector<2000x128xf32>
    %mul3A_26 = vector.broadcast %rsqrt3A : vector<2000x1xf32> to vector<2000x128xf32>
    %mul3A_27 = arith.mulf %mul3A_26, %slice3A_25 : vector<2000x128xf32>
    %swap3A_28 = arith.constant 1 : index
    %swap3A_29 = arith.constant 0 : index
    %swap3A_30 = arith.constant 0 : index
    %swap3A_31 = vector.load %arg6[%swap3A_28, %swap3A_29, %swap3A_30] : memref<2x2000x128xf32, #tpu.memory_space<vmem>>, vector<1x2000x128xf32>
    %swap3A_32 = vector.shape_cast %swap3A_31 : vector<1x2000x128xf32> to vector<2000x128xf32>
    %swap3A_33 = vector.shape_cast %mul3A_27 : vector<2000x128xf32> to vector<1x2000x128xf32>
    tpu.vector_store %arg6[%swap3A_28, %swap3A_29, %swap3A_30], %swap3A_33 {strides = array<i32>} : memref<2x2000x128xf32, #tpu.memory_space<vmem>>, vector<1x2000x128xf32>,
    %mul3A_34 = vector.broadcast %div3A_10 : vector<2000x1xf32> to vector<2000x256xf32>
    %mul3A_35 = arith.mulf %mul3A_34, %dot_general3A_17 : vector<2000x256xf32>
    %get3A_36 = arith.constant 0 : index
    %get3A_37 = vector.load %arg5[%get3A_36] : memref<256xf32, #tpu.memory_space<vmem>>, vector<256xf32>
    %broadcast_in_dim3A = vector.shape_cast %get3A_37 : vector<256xf32> to vector<1x256xf32>
    %add3A_38 = vector.broadcast %broadcast_in_dim3A : vector<1x256xf32> to vector<2000x256xf32>
    %add3A_39 = arith.addf %mul3A_35, %add3A_38 : vector<2000x256xf32>
    %swap3A_40 = arith.constant 0 : index
    %swap3A_41 = arith.constant 0 : index
    %swap3A_42 = vector.load %arg7[%swap3A_40, %swap3A_41] : memref<2000x256xf32, #tpu.memory_space<vmem>>, vector<2000x256xf32>
    tpu.vector_store %arg7[%swap3A_40, %swap3A_41], %add3A_39 {strides = array<i32>} : memref<2000x256xf32, #tpu.memory_space<vmem>>, vector<2000x256xf32>,
    return
  }
  func.func @transform_0(%arg0: i32) -> (i32, i32) {
    %c0_i32 = arith.constant 0 : i32
    %c0_i32_0 = arith.constant 0 : i32
    return %arg0, %c0_i32 : i32, i32
  }
  func.func @transform_1(%arg0: i32) -> (i32, i32) {
    %c0_i32 = arith.constant 0 : i32
    %c0_i32_0 = arith.constant 0 : i32
    return %arg0, %c0_i32 : i32, i32
  }
  func.func @transform_2(%arg0: i32) -> (i32, i32) {
    %c0_i32 = arith.constant 0 : i32
    %c0_i32_0 = arith.constant 0 : i32
    return %arg0, %c0_i32 : i32, i32
  }
  func.func @transform_3(%arg0: i32) -> (i32, i32) {
    %c0_i32 = arith.constant 0 : i32
    %c0_i32_0 = arith.constant 0 : i32
    %c0_i32_1 = arith.constant 0 : i32
    return %c0_i32, %c0_i32_0 : i32, i32
  }
  func.func @transform_4(%arg0: i32) -> i32 {
    %c0_i32 = arith.constant 0 : i32
    %c0_i32_0 = arith.constant 0 : i32
    return %c0_i32 : i32
  }
  func.func @transform_5(%arg0: i32) -> (i32, i32, i32) {
    %c0_i32 = arith.constant 0 : i32
    %c0_i32_0 = arith.constant 0 : i32
    %c0_i32_1 = arith.constant 0 : i32
    return %c0_i32, %arg0, %c0_i32_0 : i32, i32, i32
  }
  func.func @transform_6(%arg0: i32) -> (i32, i32) {
    %c0_i32 = arith.constant 0 : i32
    %c0_i32_0 = arith.constant 0 : i32
    return %arg0, %c0_i32 : i32, i32
  }
}

module attributes {stable_mosaic.version = 14 : i64} {
  func.func @_mmB_body(%arg0: i32, %arg1: memref<2000x16xf32, #tpu.memory_space<vmem>>, %arg2: memref<2000x16xf32, #tpu.memory_space<vmem>>, %arg3: memref<2x2000x128xf32, #tpu.memory_space<vmem>>, %arg4: memref<2000x256xf32, #tpu.memory_space<vmem>>, %arg5: memref<256x256xf32, #tpu.memory_space<vmem>>, %arg6: memref<256xf32, #tpu.memory_space<vmem>>, %arg7: memref<2x2000x128xf32, #tpu.memory_space<vmem>>, %arg8: memref<2000x256xf32, #tpu.memory_space<vmem>>) attributes {dimension_semantics = [#tpu.dimension_semantics<arbitrary>], iteration_bounds = array<i64: 5>, scalar_prefetch = 0 : i64, scratch_operands = 0 : i64, tpu.core_type = #tpu.core_type<tc>, window_params = [{transform_indices = @transform_0, window_bounds = array<i64: 2000, 16>}, {transform_indices = @transform_1, window_bounds = array<i64: 2000, 16>}, {transform_indices = @transform_2, window_bounds = array<i64: 2, 2000, 128>}, {transform_indices = @transform_3, window_bounds = array<i64: 2000, 256>}, {pipeline_mode = #tpu.pipeline_mode<synchronous>, transform_indices = @transform_4, window_bounds = array<i64: 256, 256>}, {pipeline_mode = #tpu.pipeline_mode<synchronous>, transform_indices = @transform_5, window_bounds = array<i64: 256>}, {transform_indices = @transform_6, window_bounds = array<i64: 2, 2000, 128>}, {transform_indices = @transform_7, window_bounds = array<i64: 2000, 256>}]} {
    %get3A = arith.constant 0 : index
    %get3A_0 = arith.constant 0 : index
    %get3A_1 = vector.load %arg1[%get3A, %get3A_0] : memref<2000x16xf32, #tpu.memory_space<vmem>>, vector<2000x16xf32>
    %get3A_2 = arith.constant 0 : index
    %get3A_3 = arith.constant 0 : index
    %get3A_4 = vector.load %arg2[%get3A_2, %get3A_3] : memref<2000x16xf32, #tpu.memory_space<vmem>>, vector<2000x16xf32>
    %slice3A = vector.extract_strided_slice %get3A_1 {offsets = [0, 0], sizes = [2000, 1], strides = [1, 1]} : vector<2000x16xf32> to vector<2000x1xf32>
    %slice3A_5 = vector.extract_strided_slice %get3A_4 {offsets = [0, 0], sizes = [2000, 1], strides = [1, 1]} : vector<2000x16xf32> to vector<2000x1xf32>
    %add3A = arith.addf %slice3A, %slice3A_5 : vector<2000x1xf32>
    %add3A_6 = arith.constant 1.000000e+00 : f32
    %add3A_7 = vector.broadcast %add3A_6 : f32 to vector<2000x1xf32>
    %add3A_8 = arith.addf %add3A, %add3A_7 : vector<2000x1xf32>
    %rsqrt3A = math.rsqrt %add3A_8 : vector<2000x1xf32>
    %div3A = arith.constant 1.000000e+00 : f32
    %div3A_9 = vector.broadcast %div3A : f32 to vector<2000x1xf32>
    %div3A_10 = arith.divf %div3A_9, %add3A_8 : vector<2000x1xf32>
    %get3A_11 = arith.constant 0 : index
    %get3A_12 = arith.constant 0 : index
    %get3A_13 = arith.constant 0 : index
    %get3A_14 = vector.load %arg3[%get3A_11, %get3A_12, %get3A_13] : memref<2x2000x128xf32, #tpu.memory_space<vmem>>, vector<1x2000x128xf32>
    %get3A_15 = vector.shape_cast %get3A_14 : vector<1x2000x128xf32> to vector<2000x128xf32>
    %get3A_16 = arith.constant 1 : index
    %get3A_17 = arith.constant 0 : index
    %get3A_18 = arith.constant 0 : index
    %get3A_19 = vector.load %arg3[%get3A_16, %get3A_17, %get3A_18] : memref<2x2000x128xf32, #tpu.memory_space<vmem>>, vector<1x2000x128xf32>
    %get3A_20 = vector.shape_cast %get3A_19 : vector<1x2000x128xf32> to vector<2000x128xf32>
    %concatenate3A = tpu.concatenate %get3A_15, %get3A_20 in 1 : vector<2000x128xf32>, vector<2000x128xf32> -> vector<2000x256xf32>
    %mul3A = vector.broadcast %rsqrt3A : vector<2000x1xf32> to vector<2000x256xf32>
    %mul3A_21 = arith.mulf %mul3A, %concatenate3A : vector<2000x256xf32>
    %get3A_22 = arith.constant 0 : index
    %get3A_23 = arith.constant 0 : index
    %get3A_24 = vector.load %arg4[%get3A_22, %get3A_23] : memref<2000x256xf32, #tpu.memory_space<vmem>>, vector<2000x256xf32>
    %add3A_25 = arith.addf %mul3A_21, %get3A_24 : vector<2000x256xf32>
    %max3A = arith.constant 0.000000e+00 : f32
    %max3A_26 = vector.broadcast %max3A : f32 to vector<2000x256xf32>
    %max3A_27 = arith.maximumf %add3A_25, %max3A_26 : vector<2000x256xf32>
    %get3A_28 = arith.constant 0 : index
    %get3A_29 = arith.constant 0 : index
    %get3A_30 = vector.load %arg5[%get3A_28, %get3A_29] : memref<256x256xf32, #tpu.memory_space<vmem>>, vector<256x256xf32>
    %dot_general3A = arith.constant dense<0.000000e+00> : vector<2000x256xf32>
    %dot_general3A_31 = tpu.matmul %max3A_27, %get3A_30, %dot_general3A {dimension_numbers = #tpu.dot_dimension_numbers<[1], [0], [0], [1], [0, 0, 1, 1], [], []>, transpose_lhs_hint = false} : vector<2000x256xf32>, vector<256x256xf32>, vector<2000x256xf32> -> vector<2000x256xf32>
    %slice3A_32 = vector.extract_strided_slice %dot_general3A_31 {offsets = [0, 0], sizes = [2000, 128], strides = [1, 1]} : vector<2000x256xf32> to vector<2000x128xf32>
    %mul3A_33 = vector.broadcast %rsqrt3A : vector<2000x1xf32> to vector<2000x128xf32>
    %mul3A_34 = arith.mulf %mul3A_33, %slice3A_32 : vector<2000x128xf32>
    %swap3A = arith.constant 0 : index
    %swap3A_35 = arith.constant 0 : index
    %swap3A_36 = arith.constant 0 : index
    %swap3A_37 = vector.load %arg7[%swap3A, %swap3A_35, %swap3A_36] : memref<2x2000x128xf32, #tpu.memory_space<vmem>>, vector<1x2000x128xf32>
    %swap3A_38 = vector.shape_cast %swap3A_37 : vector<1x2000x128xf32> to vector<2000x128xf32>
    %swap3A_39 = vector.shape_cast %mul3A_34 : vector<2000x128xf32> to vector<1x2000x128xf32>
    tpu.vector_store %arg7[%swap3A, %swap3A_35, %swap3A_36], %swap3A_39 {strides = array<i32>} : memref<2x2000x128xf32, #tpu.memory_space<vmem>>, vector<1x2000x128xf32>,
    %slice3A_40 = vector.extract_strided_slice %dot_general3A_31 {offsets = [0, 128], sizes = [2000, 128], strides = [1, 1]} : vector<2000x256xf32> to vector<2000x128xf32>
    %mul3A_41 = vector.broadcast %rsqrt3A : vector<2000x1xf32> to vector<2000x128xf32>
    %mul3A_42 = arith.mulf %mul3A_41, %slice3A_40 : vector<2000x128xf32>
    %swap3A_43 = arith.constant 1 : index
    %swap3A_44 = arith.constant 0 : index
    %swap3A_45 = arith.constant 0 : index
    %swap3A_46 = vector.load %arg7[%swap3A_43, %swap3A_44, %swap3A_45] : memref<2x2000x128xf32, #tpu.memory_space<vmem>>, vector<1x2000x128xf32>
    %swap3A_47 = vector.shape_cast %swap3A_46 : vector<1x2000x128xf32> to vector<2000x128xf32>
    %swap3A_48 = vector.shape_cast %mul3A_42 : vector<2000x128xf32> to vector<1x2000x128xf32>
    tpu.vector_store %arg7[%swap3A_43, %swap3A_44, %swap3A_45], %swap3A_48 {strides = array<i32>} : memref<2x2000x128xf32, #tpu.memory_space<vmem>>, vector<1x2000x128xf32>,
    %mul3A_49 = vector.broadcast %div3A_10 : vector<2000x1xf32> to vector<2000x256xf32>
    %mul3A_50 = arith.mulf %mul3A_49, %dot_general3A_31 : vector<2000x256xf32>
    %get3A_51 = arith.constant 0 : index
    %get3A_52 = vector.load %arg6[%get3A_51] : memref<256xf32, #tpu.memory_space<vmem>>, vector<256xf32>
    %broadcast_in_dim3A = vector.shape_cast %get3A_52 : vector<256xf32> to vector<1x256xf32>
    %add3A_53 = vector.broadcast %broadcast_in_dim3A : vector<1x256xf32> to vector<2000x256xf32>
    %add3A_54 = arith.addf %mul3A_50, %add3A_53 : vector<2000x256xf32>
    %swap3A_55 = arith.constant 0 : index
    %swap3A_56 = arith.constant 0 : index
    %swap3A_57 = vector.load %arg8[%swap3A_55, %swap3A_56] : memref<2000x256xf32, #tpu.memory_space<vmem>>, vector<2000x256xf32>
    tpu.vector_store %arg8[%swap3A_55, %swap3A_56], %add3A_54 {strides = array<i32>} : memref<2000x256xf32, #tpu.memory_space<vmem>>, vector<2000x256xf32>,
    return
  }
  func.func @transform_0(%arg0: i32) -> (i32, i32) {
    %c0_i32 = arith.constant 0 : i32
    %c0_i32_0 = arith.constant 0 : i32
    return %arg0, %c0_i32 : i32, i32
  }
  func.func @transform_1(%arg0: i32) -> (i32, i32) {
    %c0_i32 = arith.constant 0 : i32
    %c0_i32_0 = arith.constant 0 : i32
    return %arg0, %c0_i32 : i32, i32
  }
  func.func @transform_2(%arg0: i32) -> (i32, i32, i32) {
    %c0_i32 = arith.constant 0 : i32
    %c0_i32_0 = arith.constant 0 : i32
    %c0_i32_1 = arith.constant 0 : i32
    return %c0_i32, %arg0, %c0_i32_0 : i32, i32, i32
  }
  func.func @transform_3(%arg0: i32) -> (i32, i32) {
    %c0_i32 = arith.constant 0 : i32
    %c0_i32_0 = arith.constant 0 : i32
    return %arg0, %c0_i32 : i32, i32
  }
  func.func @transform_4(%arg0: i32) -> (i32, i32) {
    %c0_i32 = arith.constant 0 : i32
    %c0_i32_0 = arith.constant 0 : i32
    %c0_i32_1 = arith.constant 0 : i32
    return %c0_i32, %c0_i32_0 : i32, i32
  }
  func.func @transform_5(%arg0: i32) -> i32 {
    %c0_i32 = arith.constant 0 : i32
    %c0_i32_0 = arith.constant 0 : i32
    return %c0_i32 : i32
  }
  func.func @transform_6(%arg0: i32) -> (i32, i32, i32) {
    %c0_i32 = arith.constant 0 : i32
    %c0_i32_0 = arith.constant 0 : i32
    %c0_i32_1 = arith.constant 0 : i32
    return %c0_i32, %arg0, %c0_i32_0 : i32, i32, i32
  }
  func.func @transform_7(%arg0: i32) -> (i32, i32) {
    %c0_i32 = arith.constant 0 : i32
    %c0_i32_0 = arith.constant 0 : i32
    return %arg0, %c0_i32 : i32, i32
  }
}

module attributes {stable_mosaic.version = 14 : i64} {
  func.func @_mmC_body(%arg0: i32, %arg1: memref<2000x16xf32, #tpu.memory_space<vmem>>, %arg2: memref<2000x16xf32, #tpu.memory_space<vmem>>, %arg3: memref<2x2000x128xf32, #tpu.memory_space<vmem>>, %arg4: memref<2000x256xf32, #tpu.memory_space<vmem>>, %arg5: memref<2000x256xf32, #tpu.memory_space<vmem>>) attributes {dimension_semantics = [#tpu.dimension_semantics<arbitrary>], iteration_bounds = array<i64: 5>, scalar_prefetch = 0 : i64, scratch_operands = 0 : i64, tpu.core_type = #tpu.core_type<tc>, window_params = [{transform_indices = @transform_0, window_bounds = array<i64: 2000, 16>}, {transform_indices = @transform_1, window_bounds = array<i64: 2000, 16>}, {transform_indices = @transform_2, window_bounds = array<i64: 2, 2000, 128>}, {transform_indices = @transform_3, window_bounds = array<i64: 2000, 256>}, {transform_indices = @transform_4, window_bounds = array<i64: 2000, 256>}]} {
    %get3A = arith.constant 0 : index
    %get3A_0 = arith.constant 0 : index
    %get3A_1 = vector.load %arg1[%get3A, %get3A_0] : memref<2000x16xf32, #tpu.memory_space<vmem>>, vector<2000x16xf32>
    %get3A_2 = arith.constant 0 : index
    %get3A_3 = arith.constant 0 : index
    %get3A_4 = vector.load %arg2[%get3A_2, %get3A_3] : memref<2000x16xf32, #tpu.memory_space<vmem>>, vector<2000x16xf32>
    %slice3A = vector.extract_strided_slice %get3A_1 {offsets = [0, 0], sizes = [2000, 1], strides = [1, 1]} : vector<2000x16xf32> to vector<2000x1xf32>
    %slice3A_5 = vector.extract_strided_slice %get3A_4 {offsets = [0, 0], sizes = [2000, 1], strides = [1, 1]} : vector<2000x16xf32> to vector<2000x1xf32>
    %add3A = arith.addf %slice3A, %slice3A_5 : vector<2000x1xf32>
    %add3A_6 = arith.constant 1.000000e+00 : f32
    %add3A_7 = vector.broadcast %add3A_6 : f32 to vector<2000x1xf32>
    %add3A_8 = arith.addf %add3A, %add3A_7 : vector<2000x1xf32>
    %rsqrt3A = math.rsqrt %add3A_8 : vector<2000x1xf32>
    %get3A_9 = arith.constant 0 : index
    %get3A_10 = arith.constant 0 : index
    %get3A_11 = arith.constant 0 : index
    %get3A_12 = vector.load %arg3[%get3A_9, %get3A_10, %get3A_11] : memref<2x2000x128xf32, #tpu.memory_space<vmem>>, vector<1x2000x128xf32>
    %get3A_13 = vector.shape_cast %get3A_12 : vector<1x2000x128xf32> to vector<2000x128xf32>
    %get3A_14 = arith.constant 1 : index
    %get3A_15 = arith.constant 0 : index
    %get3A_16 = arith.constant 0 : index
    %get3A_17 = vector.load %arg3[%get3A_14, %get3A_15, %get3A_16] : memref<2x2000x128xf32, #tpu.memory_space<vmem>>, vector<1x2000x128xf32>
    %get3A_18 = vector.shape_cast %get3A_17 : vector<1x2000x128xf32> to vector<2000x128xf32>
    %concatenate3A = tpu.concatenate %get3A_13, %get3A_18 in 1 : vector<2000x128xf32>, vector<2000x128xf32> -> vector<2000x256xf32>
    %mul3A = vector.broadcast %rsqrt3A : vector<2000x1xf32> to vector<2000x256xf32>
    %mul3A_19 = arith.mulf %mul3A, %concatenate3A : vector<2000x256xf32>
    %get3A_20 = arith.constant 0 : index
    %get3A_21 = arith.constant 0 : index
    %get3A_22 = vector.load %arg4[%get3A_20, %get3A_21] : memref<2000x256xf32, #tpu.memory_space<vmem>>, vector<2000x256xf32>
    %add3A_23 = arith.addf %mul3A_19, %get3A_22 : vector<2000x256xf32>
    %swap3A = arith.constant 0 : index
    %swap3A_24 = arith.constant 0 : index
    %swap3A_25 = vector.load %arg5[%swap3A, %swap3A_24] : memref<2000x256xf32, #tpu.memory_space<vmem>>, vector<2000x256xf32>
    tpu.vector_store %arg5[%swap3A, %swap3A_24], %add3A_23 {strides = array<i32>} : memref<2000x256xf32, #tpu.memory_space<vmem>>, vector<2000x256xf32>,
    return
  }
  func.func @transform_0(%arg0: i32) -> (i32, i32) {
    %c0_i32 = arith.constant 0 : i32
    %c0_i32_0 = arith.constant 0 : i32
    return %arg0, %c0_i32 : i32, i32
  }
  func.func @transform_1(%arg0: i32) -> (i32, i32) {
    %c0_i32 = arith.constant 0 : i32
    %c0_i32_0 = arith.constant 0 : i32
    return %arg0, %c0_i32 : i32, i32
  }
  func.func @transform_2(%arg0: i32) -> (i32, i32, i32) {
    %c0_i32 = arith.constant 0 : i32
    %c0_i32_0 = arith.constant 0 : i32
    %c0_i32_1 = arith.constant 0 : i32
    return %c0_i32, %arg0, %c0_i32_0 : i32, i32, i32
  }
  func.func @transform_3(%arg0: i32) -> (i32, i32) {
    %c0_i32 = arith.constant 0 : i32
    %c0_i32_0 = arith.constant 0 : i32
    return %arg0, %c0_i32 : i32, i32
  }
  func.func @transform_4(%arg0: i32) -> (i32, i32) {
    %c0_i32 = arith.constant 0 : i32
    %c0_i32_0 = arith.constant 0 : i32
    return %arg0, %c0_i32 : i32, i32
  }
}

</mosaic_0001>

<sc_bundles>
// kernel: kernel.11.cloned.1.call-start
scs
__scs_entry_jumppad:
0x0: {  	(pc) =	sbr.rel $0x88, $3  }
0x1: {  	(tag) =	ssettag $0x0;
	lr =	simm.s32 $0x1  }
0x2: {  	[smem:$0x3F9B] =	sst lr;
	_ =	strace $0xD0000000  }
0x3: {  	_ = 	snop  }
0x4: {  	_ = 	snop  }
0x5: {  	_ = 	snop  }
0x6: {  	_ = 	snop  }
0x7: {  	_ = 	snop  }
__scs_overlays_trampoline_lowered:
0x8: {  	[smem:$0x3FAA] =	sst s0  }
0x9: {  	[smem:$0x3FAB] =	sst s1  }
0xa: {  	[smem:$0x3FAC] =	sst s2  }
0xb: {  	[smem:$0x3FAD] =	sst s3  }
0xc: {  	[smem:$0x3FAE] =	sst s4  }
0xd: {  	[smem:$0x3FAF] =	sst s5  }
0xe: {  	[smem:$0x3FB0] =	sst s6  }
0xf: {  	[smem:$0x3FB1] =	sst s7  }
0x10: {  	[smem:$0x3FB2] =	sst s8  }
0x11: {  	[smem:$0x3FB3] =	sst s9;
	s0 =	simm.s32 @!p0 $0x0  }
0x12: {  	s1 =	sld [smem:$0x3F99];
	s0 =	simm.s32 @p0 $0x1  }
0x13: {  	[smem:$0x3FB4] =	sst s0;
	s0 =	simm.s32 @!p1 $0x0  }
0x14: {  	s2 =	sld [smem:$0x3F98];
	s0 =	simm.s32 @p1 $0x1  }
0x15: {  	[smem:$0x3FB5] =	sst s0;
	s0 =	simm.s32 @!p2 $0x0  }
0x16: {  	s3 =	sld [smem:$0x3FDB];
	s0 =	simm.s32 @p2 $0x1  }
0x17: {  	s4 =	simm.s32 $0x1BF5;
	[smem:$0x3FB7] =	sst s0  }
0x18: {  	s0 =	sld [smem:$0x3F9A];
	_ =	swait.ge [sflag:s4], $0x0  }
0x19: {  	s7 =	sld [smem:$0x3F9B]  }
0x1a: {  	s8 =	sadd.s32 $0xFFFFE003, lr  }
0x1b: {  	s9 =	sadd.s32 $0xFFFFFEF7, lr;
	s5 =	simm.s32 $0xFFFFFFFF;
	p2 =	slt.u32 s8, $0xFFFFF086  }
0x1c: {  	p1 =	slt.u32 s9, $0xF7A;
	s5 =	simm.s32 @!p2 $0x0  }
0x1d: {  	s5 =	simm.s32 @p1 $0x1;
	p0 =	seq.s32 s7, s2  }
0x1e: {  	s7 =	smul.u32 @!p0 $0xF7A, s2;
	p2 =	seq.s32 @!p0 s5, $0x0  }
0x1f: {  	s9 =	smul.u32 $0xF7A, s1;
	s8 =	simm.s32 @!p0 $0x1BF5;
	p2 =	por !p2, p0  }
0x20: {  	[sflag:s8] =	ssyncset.s32 @!p0 $0xFFFFF086;
	s6 =	sadd.s32 @!p0 s3, s7;
	s7 =	simm.s32 @!p0 $0x108  }
0x21: {  	s3 =	sadd.s32 s3, s9;
	s6 =	sadd.s32 @!p0 $0x88, s6;
	s7 =	simm.s32 @p2 $0x1082  }
0x22: {  	[simem:s7], [sflag:s8] =	dma.local @!p0 [hbm:s6], $0xF7A  }
0x23: {  	s9 =	sor.u32 $0xD0000000, s2;
	s6 =	simm.s32 $0x108;
	_ =	swait.ge @!p0 [sflag:s8], $0x0  }
0x24: {  	s3 =	sadd.s32 $0x88, s3;
	s6 =	simm.s32 @!p1 $0x1082;
	[sflag:s4] =	ssyncset.s32 $0xFFFFF086  }
0x25: {  	[simem:s6], [sflag:s4] =	dma.local [hbm:s3], $0xF7A  }
0x26: {  	[smem:$0x3F9B] =	sst s1;
	(tag) =	ssettag s2;
	_ =	strace s9  }
0x27: {  	s1 =	sld [smem:$0x3FAB]  }
0x28: {  	s2 =	sld [smem:$0x3FAC]  }
0x29: {  	s4 =	sld [smem:$0x3FAE]  }
0x2a: {  	p0 =	seq.s32 s5, $0x0;
	s5 =	sld [smem:$0x3FAF]  }
0x2b: {  	s6 =	sld [smem:$0x3FB0]  }
0x2c: {  	s7 =	sld [smem:$0x3FB1]  }
0x2d: {  	s3 =	simm.s32 $0x108;
	s8 =	sld [smem:$0x3FB2]  }
0x2e: {  	s3 =	simm.s32 @!p0 $0x1082;
	s9 =	sld [smem:$0x3FB3]  }
0x2f: {  	lr =	sadd.s32 s0, s3;
	s0 =	sld [smem:$0x3FAA]  }
0x30: {  	s3 =	sld [smem:$0x3FAD]  }
0x31: {  	[smem:$0x3FB6] =	sst s10  }
0x32: {  	s10 =	sld [smem:$0x3FB4];
	_ =	sdelay $0x3  }
0x33: {  	p0 =	seq.s32 s10, $0x1;
	s10 =	sld [smem:$0x3FB6];
	_ =	sdelay $0x3  }
0x34: {  	[smem:$0x3FB6] =	sst s10  }
0x35: {  	s10 =	sld [smem:$0x3FB5];
	_ =	sdelay $0x3  }
0x36: {  	p1 =	seq.s32 s10, $0x1;
	s10 =	sld [smem:$0x3FB6];
	_ =	sdelay $0x3  }
0x37: {  	[smem:$0x3FB6] =	sst s10  }
0x38: {  	s10 =	sld [smem:$0x3FB7]  }
0x39: {  	_ = 	snop;
	(pc) =	sbr.ind lr, $3  }
0x3a: {  	_ = 	snop  }
0x3b: {  	_ = 	snop  }
0x3c: {  	p2 =	seq.s32 s10, $0x1;
	s10 =	sld [smem:$0x3FB6]  }
0x3d: {  	_ =	shalt  }
0x3e: {  	_ =	shalt  }
0x3f: {  	_ =	shalt  }
0x40: {  	_ =	shalt  }
0x41: {  	_ =	shalt  }
0x42: {  	_ =	shalt  }
0x43: {  	_ =	shalt  }
0x44: {  	_ =	shalt  }
0x45: {  	_ =	shalt  }
0x46: {  	_ =	shalt  }
0x47: {  	_ =	shalt  }
0x48: {  	_ =	shalt  }
0x49: {  	_ =	shalt  }
0x4a: {  	_ =	shalt  }
0x4b: {  	_ =	shalt  }
0x4c: {  	_ =	shalt  }
0x4d: {  	_ =	shalt  }
0x4e: {  	_ =	shalt  }
0x4f: {  	_ =	shalt  }
0x50: {  	_ =	shalt  }
0x51: {  	_ =	shalt  }
0x52: {  	_ =	shalt  }
0x53: {  	_ =	shalt  }
0x54: {  	_ =	shalt  }
0x55: {  	_ =	shalt  }
0x56: {  	_ =	shalt  }
0x57: {  	_ =	shalt  }
0x58: {  	_ =	shalt  }
0x59: {  	_ =	shalt  }
0x5a: {  	_ =	shalt  }
0x5b: {  	_ =	shalt  }
0x5c: {  	_ =	shalt  }
0x5d: {  	_ =	shalt  }
0x5e: {  	_ =	shalt  }
0x5f: {  	_ =	shalt  }
0x60: {  	_ =	shalt  }
0x61: {  	_ =	shalt  }
0x62: {  	_ =	shalt  }
0x63: {  	_ =	shalt  }
0x64: {  	_ =	shalt  }
0x65: {  	_ =	shalt  }
0x66: {  	_ =	shalt  }
0x67: {  	_ =	shalt  }
0x68: {  	_ =	shalt  }
0x69: {  	_ =	shalt  }
0x6a: {  	_ =	shalt  }
0x6b: {  	_ =	shalt  }
0x6c: {  	_ =	shalt  }
0x6d: {  	_ =	shalt  }
0x6e: {  	_ =	shalt  }
0x6f: {  	_ =	shalt  }
0x70: {  	_ =	shalt  }
0x71: {  	_ =	shalt  }
0x72: {  	_ =	shalt  }
0x73: {  	_ =	shalt  }
0x74: {  	_ =	shalt  }
0x75: {  	_ =	shalt  }
0x76: {  	_ =	shalt  }
0x77: {  	_ =	shalt  }
0x78: {  	_ =	shalt  }
0x79: {  	_ =	shalt  }
0x7a: {  	_ =	shalt  }
0x7b: {  	_ =	shalt  }
0x7c: {  	_ =	shalt  }
0x7d: {  	_ =	shalt  }
0x7e: {  	_ =	shalt  }
0x7f: {  	_ =	shalt  }
0x80: {  	_ =	shalt  }
0x81: {  	_ =	shalt  }
0x82: {  	_ =	shalt  }
0x83: {  	_ =	shalt  }
0x84: {  	_ =	shalt  }
0x85: {  	_ =	shalt  }
0x86: {  	_ =	shalt  }
0x87: {  	_ =	shalt  }
.Lfunc_end0:
.L_simem_size_0:
called_computation.1_lowered:
.L_overlay_start_0:
0x88: {  	s2 =	sld [smem:$0x3FD9]  }
0x89: {  	s3 =	sld [smem:$0x3FFE];
	_ =	sdelay $0x1  }
0x8a: {  	s1 =	srdreg.scid  }
0x8b: {  	s0 =	sand.u32 $0x1, s1  }
0x8c: {  	s16 =	sshll.u32 s0, $0xA;
	s2 =	sadd.s32 s3, s2  }
0x8d: {  	s2 =	sadd.s32 s2, s16  }
0x8e: {  	[smem:$0x3FC2] =	sst s2  }
0x8f: {  	_ = 	snop  }
0x90: {  	(tm) =	ssettm $0x1  }
0x91: {  	s17 =	sld [smem:$0x3FFB];
	_ =	sdelay $0x3  }
0x92: {  	_ =	strace s17  }
0x93: {  	s2 =	sld [smem:$0x3FFC];
	_ =	sdelay $0x3  }
0x94: {  	_ =	strace s2  }
0x95: {  	s2 =	sld [smem:$0x3FFD];
	_ =	sdelay $0x3  }
0x96: {  	_ =	strace s2  }
0x97: {  	_ =	strace $0x8FFFFFFF  }
0x98: {  	s18 =	sld [smem:$0x3FDB];
	_ =	sdelay $0x1  }
0x99: {  	s19 =	simm.s32 $_scs_section_size  }
0x9a: {  	s4 =	simm.s32 $_size__tile_overlayer_lowered;
	s5 =	simm.s32 $_tile_overlayer_lowered  }
0x9b: {  	s22 =	simm.s32 $0x1BFF;
	s21 =	sshll.u32 s5, $0x1;
	s2 =	sadd.s32 s19, s18  }
0x9c: {  	s6 =	simm.s32 $0x0;
	s20 =	sshll.u32 s4, $0x1;
	s4 =	sadd.s32 s21, s2  }
0x9d: {  	[timem:s6], [sflag:s22] =	dma.local [hbm:s4], s20  }
0x9e: {  	_ =	swait.ge [sflag:s22], s20  }
0x9f: {  	s3 =	ssub.s32 $0x0, s20;
	[sflag:s22] =	ssyncset.done $0x0  }
0xa0: {  	[sflag:s22] =	ssyncadd.s32 s3;
	_ =	sdelay $0x1  }
0xa1: {  	s23 =	simm.s32 $0x1B8B  }
0xa2: {  	_ =	swait.ge [sflag:s23], $0x1  }
0xa3: {  	[sflag:s23] =	ssyncset.done $0x0  }
0xa4: {  	s25 =	simm.s32 $0x1B8E;
	s24 =	sld [smem:$0x3FFE];
	[sflag:s23] =	ssyncadd.s32 $0xFFFFFFFF  }
0xa5: {  	s26 =	simm.s32 $execute0_lowered;
	[smem:$0x3FD2] =	sst s25  }
0xa6: {  	s4 =	sshll.u32 s26, $0x1;
	_ =	strace $0x80000049;
	[dreg:$0x1] =	wrdreg $0xFFFFFFFF  }
0xa7: {  	s28 =	simm.s32 $_size_execute0_lowered;
	s2 =	sadd.s32 s2, s4;
	[dreg:$0x0] =	wrdreg $0x0  }
0xa8: {  	s4 =	sshll.u32 s28, $0x1;
	[dreg:$0x2] =	wrdreg s2  }
0xa9: {  	[dreg:$0x3] =	wrdreg s4  }
0xaa: {  	[dreg:$0x4] =	wrdreg $0xC0  }
0xab: {  	_ =	task [dreg:s6], $0x5FFFF  }
0xac: {  	[dreg:$0x1] =	wrdreg $0xFFFFFFFF  }
0xad: {  	[dreg:$0x0] =	wrdreg $0x60  }
0xae: {  	[dreg:$0x2] =	wrdreg s24  }
0xaf: {  	[dreg:$0x3] =	wrdreg $0xA8000  }
0xb0: {  	[dreg:$0x4] =	wrdreg $0x9  }
0xb1: {  	_ =	task.clear_ibuf [dreg:s6], $0x5FFFF;
	_ =	strace $0x90000049  }
0xb2: {  	s29 =	simm.s32 $0x9;
	_ =	strace $0x8000004B  }
0xb3: {  	_ =	swait.ge [sflag:s29], $0x1  }
0xb4: {  	[sflag:s29] =	ssyncadd.s32 $0xFFFFFFFF  }
0xb5: {  	_ =	strace $0x9000004B  }
0xb6: {  	_ =	sfence  }
0xb7: {  	s30 =	sld [smem:$0x0];
	_ =	sdelay $0x2  }
0xb8: {  	s31 =	sshll.u32 s1, $0xD;
	s1 =	sshrl.u32 s1, $0x2  }
0xb9: {  	s3 =	sand.u32 $0x4000, s31;
	s1 =	sadd.s32 s1, s30  }
0xba: {  	s0 =	sor.u32 s3, s0;
	s1 =	sshll.u32 s1, $0x11  }
0xbb: {  	s0 =	sor.u32 s1, s0  }
0xbc: {  	s0 =	sadd.s32 $0x8F2B, s0  }
0xbd: {  	[sflag:s0] =	ssyncadd.remote.s32 $0x1  }
0xbe: {  	_ =	sfence.sel $0xFFFF  }
0xbf: {  	[dreg:$0x0] =	wrdreg $0xFFFFFFFF;
	(pc) =	sbr.abs _section_cstart, $3  }
0xc0: {  	[dreg:$0x1] =	wrdreg $0xFFFFFFFF  }
0xc1: {  	_ =	task.clear_ibuf [dreg:s6], $0x2FFFF;
	_ =	strace $0x9FFFFFFF  }
0xc2: {  	(tm) =	ssettm $0x7FFFFFFF  }
0xc3: {  	_ =	shalt  }
tec
execute0_lowered:
.L_overlay_start_1:
0x0: {  	(tag) =	ssettag $0x1  }
0x1: {  	s0 =	srdreg.scid;
	s6 =	rddreg [dreg:$0x0]  }
0x2: {  	s2 =	rddreg [dreg:$0x1];
	s3 =	simm.s32 $0x0;
	s16 =	simm.s32 $0x2800  }
0x3: {  	s17 =	simm.s32 $0x3;
	s18 =	simm.s32 $0x1400;
	s19 =	simm.s32 $0x80  }
0x4: {  	s20 =	simm.s32 $0x6800;
	s5 =	sand.u32 $0x1, s0;
	s0 =	stileid.u32  }
0x5: {  	s21 =	simm.s32 $0x1;
	s22 =	simm.s32 $0x2;
	s7 =	smul.u32 $0x2800, s0  }
0x6: {  	[smem:$0x7FF] =	sst s3;
	s1 =	sshll.u32 s5, $0x4;
	s8 =	smul.u32 $0x28000, s5  }
0x7: {  	s11 =	smul.u32 $0x50000, s0;
	s26 =	ssub.s32 $0x2, s5;
	s4 =	sor.u32 s0, s1  }
0x8: {  	s1 =	rddreg [dreg:$0x2];
	_ =	strace $0x8000004A;
	s30 =	sshrl.u32 s26, $0x1  }
0x9: {  	s4 =	smul.u32 $0x2800, s4;
	s10 =	sshrl.u32 s7, $0x3;
	s7 =	sadd.s32 s7, s8  }
0xa: {  	s28 =	sshrl.u32 s11, $0x2;
	s31 =	ssub.s32 s26, s30;
	s15 =	sadd.s32 s10, s6  }
0xb: {  	s29 =	sadd.s32 s7, s6;
	s5 =	sadd.s32 s28, s2;
	s11 =	smax.u32 s31, $0x1  }
0xc: {  	s9 =	sshrl.u32 s4, $0x3;
	s4 =	sadd.s32 $0x6600, s6;
	s7 =	sadd.s32 $0x8000, s5  }
0xd: {  	s8 =	sadd.s32 $0xC000, s5;
	s10 =	sadd.s32 $0x60600, s29;
	s13 =	sadd.s32 $0x1600, s15  }
0xe: {  	s15 =	sadd.s32 $0x1880, s15;
	s14 =	sadd.s32 s9, s6;
	s6 =	sadd.s32 $0x4000, s5  }
0xf: {  	v0 =	vimm.f32 $0.0e+00;
	s9 =	sadd.s32 $0x10000, s5;
	s12 =	sadd.s32 $0x56600, s14;
	s14 =	sadd.s32 $0x56880, s14  }
.LBB2_1:
0x10: {  	s23 =	simm.s32 $0x0;
	s24 =	simm.s32 $0x200  }
.LBB2_2:
0x11: {  	p0 =	sne.s32 s24, $0xFE00;
	[tilespmem:s23+$0x2870] =	vst v0  }
0x12: {  	[tilespmem:s23+$0x2800] =	vst v0  }
0x13: {  	[tilespmem:s23+$0x2810] =	vst v0  }
.Ltmp0:
0x14: {  	[tilespmem:s23+$0x2820] =	vst v0;
	(pc) =	sbr.rel @p0 .LBB2_2-.Ltmp0, $4  }
0x15: {  	[tilespmem:s23+$0x2830] =	vst v0  }
0x16: {  	[tilespmem:s23+$0x2840] =	vst v0  }
0x17: {  	[tilespmem:s23+$0x2850] =	vst v0  }
0x18: {  	[tilespmem:s23+$0x2860] =	vst v0;
	s23 =	sshra.s32 s24, $0x2;
	s24 =	sadd.s32 $0x200, s24  }
0x19: {  	[tilespmem:s23+$0x2870] =	vst v0  }
0x1a: {  	[tilespmem:s23+$0x2800] =	vst v0  }
0x1b: {  	[tilespmem:s23+$0x2810] =	vst v0  }
0x1c: {  	[tilespmem:s23+$0x2820] =	vst v0  }
0x1d: {  	[tilespmem:s23+$0x2830] =	vst v0  }
0x1e: {  	[tilespmem:s23+$0x2840] =	vst v0  }
0x1f: {  	[tilespmem:s23+$0x2850] =	vst v0  }
0x20: {  	[tilespmem:s23+$0x2860] =	vst v0  }
0x21: {  	[spmem:s5] =	stream.linear.scatter [tilespmem:s16], [sflag:$0x3], $0x4000, $0x38;
	[tilespmem:$0x1E800] =	vst v63  }
0x22: {  	_ =	swait.ge [sflag:s17], $0x4000  }
0x23: {  	[sflag:s17] =	ssyncset.done $0x0  }
0x24: {  	[sflag:s17] =	ssyncadd.s32 $0xFFFFC000  }
0x25: {  	[spmem:s6] =	stream.linear.scatter [tilespmem:s16], [sflag:$0x3], $0x4000, $0x38;
	[tilespmem:$0x1E800] =	vst v63  }
0x26: {  	_ =	swait.ge [sflag:s17], $0x4000  }
0x27: {  	[sflag:s17] =	ssyncset.done $0x0  }
0x28: {  	[sflag:s17] =	ssyncadd.s32 $0xFFFFC000  }
0x29: {  	[spmem:s7] =	stream.linear.scatter [tilespmem:s16], [sflag:$0x3], $0x4000, $0x38;
	[tilespmem:$0x1E800] =	vst v63  }
0x2a: {  	_ =	swait.ge [sflag:s17], $0x4000  }
0x2b: {  	[sflag:s17] =	ssyncset.done $0x0  }
0x2c: {  	[sflag:s17] =	ssyncadd.s32 $0xFFFFC000  }
0x2d: {  	[spmem:s8] =	stream.linear.scatter [tilespmem:s16], [sflag:$0x3], $0x4000, $0x38;
	[tilespmem:$0x1E800] =	vst v63  }
0x2e: {  	_ =	swait.ge [sflag:s17], $0x4000  }
0x2f: {  	[sflag:s17] =	ssyncset.done $0x0  }
0x30: {  	[sflag:s17] =	ssyncadd.s32 $0xFFFFC000  }
0x31: {  	[spmem:s9] =	stream.linear.scatter [tilespmem:s16], [sflag:$0x3], $0x4000, $0x38;
	[tilespmem:$0x1E800] =	vst v63  }
0x32: {  	_ =	swait.ge [sflag:s17], $0x4000  }
0x33: {  	[sflag:s17] =	ssyncset.done $0x0  }
0x34: {  	[sflag:s17] =	ssyncadd.s32 $0xFFFFC000  }
0x35: {  	s26 =	simm.s32 $0x0;
	[bflag:$0x0] =	sbarrier.arrive $0xFFFF  }
0x36: {  	[tilespmem:s26], [sflag:$0x3] =	stream.linear.gather [hbm4b:s12+s26], $0x1400, $0x38;
	[tilespmem:$0x1E800] =	vst v63  }
0x37: {  	_ =	swait.ge [sflag:s17], $0x1400  }
0x38: {  	[sflag:s17] =	ssyncset.done $0x0  }
0x39: {  	[sflag:s17] =	ssyncadd.s32 $0xFFFFEC00  }
0x3a: {  	[tilespmem:s18], [sflag:$0x3] =	stream.linear.gather [hbm4b:s13+s26], $0x1400, $0x38;
	[tilespmem:$0x1E800] =	vst v63  }
0x3b: {  	_ =	swait.ge [sflag:s17], $0x1400  }
0x3c: {  	[sflag:s17] =	ssyncset.done $0x0  }
0x3d: {  	s28 =	simm.s32 $0x0;
	[sflag:s17] =	ssyncadd.s32 $0xFFFFEC00  }
0x3e: {  	[tilespmem:s16], [sflag:$0x1] =	stream.indirect.gather [hbm4b:s4+s19], $0x80, s28, s19, $0xb8;
	[tilespmem:$0x1E800] =	vst v63  }
0x3f: {  	s29 =	simm.s32 $0x80  }
0x40: {  	[tilespmem:s20], [sflag:$0x2] =	stream.indirect.gather [hbm4b:s4+s19], $0x80, s29, s19, $0xb8;
	[tilespmem:$0x1E800] =	vst v63  }
0x41: {  	_ =	swait.ge [sflag:s21], $0x4000  }
0x42: {  	[sflag:s21] =	ssyncset.done $0x0  }
0x43: {  	s30 =	simm.s32 $0x1400;
	[sflag:s21] =	ssyncadd.s32 $0xFFFFC000  }
0x44: {  	[spmem:s2] =	stream.indirect.scatter.add.f32 [tilespmem:s16], [sflag:$0x3], $0x80, s30, s19, $0xb8;
	[tilespmem:$0x1E800] =	vst v63  }
0x45: {  	_ =	swait.ge [sflag:s17], $0x4000  }
0x46: {  	[sflag:s17] =	ssyncset.done $0x0  }
0x47: {  	[sflag:s17] =	ssyncadd.s32 $0xFFFFC000  }
0x48: {  	_ =	swait.ge [sflag:s22], $0x4000  }
0x49: {  	[sflag:s22] =	ssyncset.done $0x0  }
0x4a: {  	s31 =	simm.s32 $0x1480;
	[sflag:s22] =	ssyncadd.s32 $0xFFFFC000  }
0x4b: {  	[spmem:s2] =	stream.indirect.scatter.add.f32 [tilespmem:s20], [sflag:$0x3], $0x80, s31, s19, $0xb8;
	[tilespmem:$0x1E800] =	vst v63  }
0x4c: {  	_ =	swait.ge [sflag:s17], $0x4000  }
0x4d: {  	s23 =	simm.s32 $0x400;
	s24 =	simm.s32 $0x800;
	[sflag:s17] =	ssyncset.done $0x0  }
.LBB2_4:
0x4e: {  	s25 =	sshra.s32 s23, $0x2  }
0x4f: {  	[sflag:s17] =	ssyncadd.s32 $0xFFFFC000;
	s23 =	smov.u32 s24;
	s26 =	sadd.s32 $0x400, s24  }
0x50: {  	[tilespmem:s16], [sflag:$0x1] =	stream.indirect.gather [hbm4b:s4+s19], $0x80, s25, s19, $0xb8;
	[tilespmem:$0x1E800] =	vst v63  }
0x51: {  	p0 =	sne.s32 s24, $0x4C00;
	s24 =	sadd.s32 $0x80, s25  }
0x52: {  	[tilespmem:s20], [sflag:$0x2] =	stream.indirect.gather [hbm4b:s4+s19], $0x80, s24, s19, $0xb8;
	[tilespmem:$0x1E800] =	vst v63  }
0x53: {  	_ =	swait.ge [sflag:s21], $0x4000  }
0x54: {  	[sflag:s21] =	ssyncset.done $0x0  }
0x55: {  	s24 =	sadd.s32 $0x1400, s25;
	[sflag:s21] =	ssyncadd.s32 $0xFFFFC000  }
0x56: {  	[spmem:s2] =	stream.indirect.scatter.add.f32 [tilespmem:s16], [sflag:$0x3], $0x80, s24, s19, $0xb8;
	[tilespmem:$0x1E800] =	vst v63  }
0x57: {  	_ =	swait.ge [sflag:s17], $0x4000  }
0x58: {  	[sflag:s17] =	ssyncset.done $0x0  }
0x59: {  	[sflag:s17] =	ssyncadd.s32 $0xFFFFC000  }
0x5a: {  	_ =	swait.ge [sflag:s22], $0x4000  }
.Ltmp1:
0x5b: {  	[sflag:s22] =	ssyncset.done $0x0;
	(pc) =	sbr.rel @p0 .LBB2_4-.Ltmp1, $4  }
0x5c: {  	s24 =	sadd.s32 $0x1480, s25;
	[sflag:s22] =	ssyncadd.s32 $0xFFFFC000  }
0x5d: {  	[spmem:s2] =	stream.indirect.scatter.add.f32 [tilespmem:s20], [sflag:$0x3], $0x80, s24, s19, $0xb8;
	[tilespmem:$0x1E800] =	vst v63  }
0x5e: {  	_ =	swait.ge [sflag:s17], $0x4000  }
0x5f: {  	s24 =	smov.u32 s26;
	[sflag:s17] =	ssyncset.done $0x0  }
0x60: {  	s23 =	sshra.s32 s23, $0x2;
	[sflag:s17] =	ssyncadd.s32 $0xFFFFC000  }
0x61: {  	[tilespmem:s16], [sflag:$0x1] =	stream.indirect.gather [hbm4b:s4+s19], $0x80, s23, s19, $0xb8;
	[tilespmem:$0x1E800] =	vst v63  }
0x62: {  	s24 =	sadd.s32 $0x80, s23  }
0x63: {  	[tilespmem:s20], [sflag:$0x2] =	stream.indirect.gather [hbm4b:s4+s19], $0x80, s24, s19, $0xb8;
	[tilespmem:$0x1E800] =	vst v63  }
0x64: {  	_ =	swait.ge [sflag:s21], $0x4000  }
0x65: {  	[sflag:s21] =	ssyncset.done $0x0  }
0x66: {  	s25 =	sadd.s32 $0x1400, s23;
	[sflag:s21] =	ssyncadd.s32 $0xFFFFC000  }
0x67: {  	[spmem:s2] =	stream.indirect.scatter.add.f32 [tilespmem:s16], [sflag:$0x3], $0x80, s25, s19, $0xb8;
	[tilespmem:$0x1E800] =	vst v63  }
0x68: {  	_ =	swait.ge [sflag:s17], $0x4000  }
0x69: {  	[sflag:s17] =	ssyncset.done $0x0  }
0x6a: {  	[sflag:s17] =	ssyncadd.s32 $0xFFFFC000  }
0x6b: {  	_ =	swait.ge [sflag:s22], $0x4000  }
0x6c: {  	[sflag:s22] =	ssyncset.done $0x0  }
0x6d: {  	s23 =	sadd.s32 $0x1480, s23;
	[sflag:s22] =	ssyncadd.s32 $0xFFFFC000  }
0x6e: {  	[spmem:s2] =	stream.indirect.scatter.add.f32 [tilespmem:s20], [sflag:$0x3], $0x80, s23, s19, $0xb8;
	[tilespmem:$0x1E800] =	vst v63  }
0x6f: {  	_ =	swait.ge [sflag:s17], $0x4000  }
0x70: {  	[sflag:s17] =	ssyncset.done $0x0  }
0x71: {  	s26 =	simm.s32 $0x0;
	[sflag:s17] =	ssyncadd.s32 $0xFFFFC000  }
0x72: {  	[tilespmem:s26], [sflag:$0x3] =	stream.linear.gather [hbm4b:s14+s26], $0x1400, $0x38;
	[tilespmem:$0x1E800] =	vst v63  }
0x73: {  	_ =	swait.ge [sflag:s17], $0x1400  }
0x74: {  	[sflag:s17] =	ssyncset.done $0x0  }
0x75: {  	[sflag:s17] =	ssyncadd.s32 $0xFFFFEC00  }
0x76: {  	[tilespmem:s18], [sflag:$0x3] =	stream.linear.gather [hbm4b:s15+s26], $0x1400, $0x38;
	[tilespmem:$0x1E800] =	vst v63  }
0x77: {  	_ =	swait.ge [sflag:s17], $0x1400  }
0x78: {  	[sflag:s17] =	ssyncset.done $0x0  }
0x79: {  	s28 =	simm.s32 $0x0;
	[sflag:s17] =	ssyncadd.s32 $0xFFFFEC00  }
0x7a: {  	[tilespmem:s16], [sflag:$0x1] =	stream.indirect.gather [hbm4b:s4+s19], $0x80, s28, s19, $0xb8;
	[tilespmem:$0x1E800] =	vst v63  }
0x7b: {  	s29 =	simm.s32 $0x80  }
0x7c: {  	[tilespmem:s20], [sflag:$0x2] =	stream.indirect.gather [hbm4b:s4+s19], $0x80, s29, s19, $0xb8;
	[tilespmem:$0x1E800] =	vst v63  }
0x7d: {  	_ =	swait.ge [sflag:s21], $0x4000  }
0x7e: {  	[sflag:s21] =	ssyncset.done $0x0  }
0x7f: {  	s30 =	simm.s32 $0x1400;
	[sflag:s21] =	ssyncadd.s32 $0xFFFFC000  }
0x80: {  	[spmem:s2] =	stream.indirect.scatter.add.f32 [tilespmem:s16], [sflag:$0x3], $0x80, s30, s19, $0xb8;
	[tilespmem:$0x1E800] =	vst v63  }
0x81: {  	_ =	swait.ge [sflag:s17], $0x4000  }
0x82: {  	[sflag:s17] =	ssyncset.done $0x0  }
0x83: {  	[sflag:s17] =	ssyncadd.s32 $0xFFFFC000  }
0x84: {  	_ =	swait.ge [sflag:s22], $0x4000  }
0x85: {  	[sflag:s22] =	ssyncset.done $0x0  }
0x86: {  	s31 =	simm.s32 $0x1480;
	[sflag:s22] =	ssyncadd.s32 $0xFFFFC000  }
0x87: {  	[spmem:s2] =	stream.indirect.scatter.add.f32 [tilespmem:s20], [sflag:$0x3], $0x80, s31, s19, $0xb8;
	[tilespmem:$0x1E800] =	vst v63  }
0x88: {  	_ =	swait.ge [sflag:s17], $0x4000  }
0x89: {  	s24 =	simm.s32 $0x800;
	s23 =	simm.s32 $0x400;
	[sflag:s17] =	ssyncset.done $0x0  }
.LBB2_6:
0x8a: {  	s25 =	sshra.s32 s23, $0x2  }
0x8b: {  	[sflag:s17] =	ssyncadd.s32 $0xFFFFC000;
	s23 =	smov.u32 s24;
	s26 =	sadd.s32 $0x400, s24  }
0x8c: {  	[tilespmem:s16], [sflag:$0x1] =	stream.indirect.gather [hbm4b:s4+s19], $0x80, s25, s19, $0xb8;
	[tilespmem:$0x1E800] =	vst v63  }
0x8d: {  	p0 =	sne.s32 s24, $0x4C00;
	s24 =	sadd.s32 $0x80, s25  }
0x8e: {  	[tilespmem:s20], [sflag:$0x2] =	stream.indirect.gather [hbm4b:s4+s19], $0x80, s24, s19, $0xb8;
	[tilespmem:$0x1E800] =	vst v63  }
0x8f: {  	_ =	swait.ge [sflag:s21], $0x4000  }
0x90: {  	[sflag:s21] =	ssyncset.done $0x0  }
0x91: {  	s24 =	sadd.s32 $0x1400, s25;
	[sflag:s21] =	ssyncadd.s32 $0xFFFFC000  }
0x92: {  	[spmem:s2] =	stream.indirect.scatter.add.f32 [tilespmem:s16], [sflag:$0x3], $0x80, s24, s19, $0xb8;
	[tilespmem:$0x1E800] =	vst v63  }
0x93: {  	_ =	swait.ge [sflag:s17], $0x4000  }
0x94: {  	[sflag:s17] =	ssyncset.done $0x0  }
0x95: {  	[sflag:s17] =	ssyncadd.s32 $0xFFFFC000  }
0x96: {  	_ =	swait.ge [sflag:s22], $0x4000  }
.Ltmp2:
0x97: {  	[sflag:s22] =	ssyncset.done $0x0;
	(pc) =	sbr.rel @p0 .LBB2_6-.Ltmp2, $4  }
0x98: {  	s24 =	sadd.s32 $0x1480, s25;
	[sflag:s22] =	ssyncadd.s32 $0xFFFFC000  }
0x99: {  	[spmem:s2] =	stream.indirect.scatter.add.f32 [tilespmem:s20], [sflag:$0x3], $0x80, s24, s19, $0xb8;
	[tilespmem:$0x1E800] =	vst v63  }
0x9a: {  	_ =	swait.ge [sflag:s17], $0x4000  }
0x9b: {  	s24 =	smov.u32 s26;
	[sflag:s17] =	ssyncset.done $0x0  }
0x9c: {  	s23 =	sshra.s32 s23, $0x2;
	[sflag:s17] =	ssyncadd.s32 $0xFFFFC000  }
0x9d: {  	[tilespmem:s16], [sflag:$0x1] =	stream.indirect.gather [hbm4b:s4+s19], $0x80, s23, s19, $0xb8;
	[tilespmem:$0x1E800] =	vst v63  }
0x9e: {  	s24 =	sadd.s32 $0x80, s23  }
0x9f: {  	[tilespmem:s20], [sflag:$0x2] =	stream.indirect.gather [hbm4b:s4+s19], $0x80, s24, s19, $0xb8;
	[tilespmem:$0x1E800] =	vst v63  }
0xa0: {  	_ =	swait.ge [sflag:s21], $0x4000  }
0xa1: {  	[sflag:s21] =	ssyncset.done $0x0  }
0xa2: {  	s29 =	sadd.s32 $0x1400, s23;
	[sflag:s21] =	ssyncadd.s32 $0xFFFFC000  }
0xa3: {  	[spmem:s2] =	stream.indirect.scatter.add.f32 [tilespmem:s16], [sflag:$0x3], $0x80, s29, s19, $0xb8;
	[tilespmem:$0x1E800] =	vst v63  }
0xa4: {  	_ =	swait.ge [sflag:s17], $0x4000  }
0xa5: {  	[sflag:s17] =	ssyncset.done $0x0  }
0xa6: {  	[sflag:s17] =	ssyncadd.s32 $0xFFFFC000  }
0xa7: {  	_ =	swait.ge [sflag:s22], $0x4000  }
0xa8: {  	[sflag:s22] =	ssyncset.done $0x0  }
0xa9: {  	s23 =	sadd.s32 $0x1480, s23;
	[sflag:s22] =	ssyncadd.s32 $0xFFFFC000  }
0xaa: {  	[spmem:s2] =	stream.indirect.scatter.add.f32 [tilespmem:s20], [sflag:$0x3], $0x80, s23, s19, $0xb8;
	[tilespmem:$0x1E800] =	vst v63  }
0xab: {  	_ =	swait.ge [sflag:s17], $0x4000  }
0xac: {  	s30 =	sshll.u32 s0, $0x6;
	s3 =	sadd.s32 $0x1, s3;
	[sflag:s17] =	ssyncset.done $0x0  }
0xad: {  	s31 =	sshrl.u32 s5, $0x3;
	p0 =	sne.s32 s3, s11;
	[sflag:s17] =	ssyncadd.s32 $0xFFFFC000  }
.Ltmp3:
0xae: {  	s23 =	sor.u32 $0x1C03, s30;
	[bflag:$0x0] =	sbarrier.arrive $0xFFFF;
	(pc) =	sbr.rel @p0 .LBB2_1-.Ltmp3, $4  }
0xaf: {  	[hbm:s10], [sflag:s23] =	dma.local [spmem:s31], $0x2800  }
0xb0: {  	_ =	swait.ge [sflag:s17], $0x2800  }
0xb1: {  	[sflag:s17] =	ssyncset.done $0x0  }
0xb2: {  	[sflag:s17] =	ssyncadd.s32 $0xFFFFD800  }
0xb3: {  	_ =	sfence.sel $0x180000  }
0xb4: {  	[bflag:$0x0] =	sbarrier.arrive $0xFFFF  }
0xb5: {  	p0 =	sne.s32 s0, $0x0;
	_ =	strace $0x9000004A  }
0xb6: {  	s0 =	sadd.s32 @!p0 $0x100000, s1;
	[bflag:$0x2] =	sbarrier.arrive $0xFFFF  }
0xb7: {  	[sflag:s0] =	ssyncadd.tile.s32 @!p0 $0x1;
	_ =	shalt  }
.Lfunc_end2:
_tile_overlayer_lowered:
.L_overlay_start_2:
0xb8: {  	(tag) =	ssettag $0x2  }
0xb9: {  	s0 =	rddreg [dreg:$0x0];
	s2 =	stileid.u32  }
0xba: {  	s1 =	rddreg [dreg:$0x1];
	p0 =	sne.s32 s2, $0x0  }
0xbb: {  	s3 =	rddreg [dreg:$0x2];
	[bflag:$0x3] =	sbarrier.arrive $0xFFFF;
	s2 =	simm.s32 @!p0 $0x1C03  }
0xbc: {  	[timem:s3], [sflag:s2] =	dma.local @!p0 [hbm:s0], s1  }
0xbd: {  	s0 =	simm.s32 @!p0 $0x3  }
0xbe: {  	_ =	swait.ge @!p0 [sflag:s0], s1  }
0xbf: {  	s1 =	ssub.s32 @!p0 $0x0, s1;
	[sflag:s0] =	ssyncset.done @!p0 $0x0  }
0xc0: {  	[sflag:s0] =	ssyncadd.s32 @!p0 s1  }
0xc1: {  	[bflag:$0x3] =	sbarrier.arrive $0xFFFF  }
0xc2: {  	_ =	shalt  }

// kernel: kernel.14.cloned.1.call-start
scs
__scs_entry_jumppad:
0x0: {  	(pc) =	sbr.rel $0x88, $3  }
0x1: {  	(tag) =	ssettag $0x0;
	lr =	simm.s32 $0x1  }
0x2: {  	[smem:$0x3F9B] =	sst lr;
	_ =	strace $0xD0000000  }
0x3: {  	_ = 	snop  }
0x4: {  	_ = 	snop  }
0x5: {  	_ = 	snop  }
0x6: {  	_ = 	snop  }
0x7: {  	_ = 	snop  }
__scs_overlays_trampoline_lowered:
0x8: {  	[smem:$0x3FAA] =	sst s0  }
0x9: {  	[smem:$0x3FAB] =	sst s1  }
0xa: {  	[smem:$0x3FAC] =	sst s2  }
0xb: {  	[smem:$0x3FAD] =	sst s3  }
0xc: {  	[smem:$0x3FAE] =	sst s4  }
0xd: {  	[smem:$0x3FAF] =	sst s5  }
0xe: {  	[smem:$0x3FB0] =	sst s6  }
0xf: {  	[smem:$0x3FB1] =	sst s7  }
0x10: {  	[smem:$0x3FB2] =	sst s8  }
0x11: {  	[smem:$0x3FB3] =	sst s9;
	s0 =	simm.s32 @!p0 $0x0  }
0x12: {  	s1 =	sld [smem:$0x3F99];
	s0 =	simm.s32 @p0 $0x1  }
0x13: {  	[smem:$0x3FB4] =	sst s0;
	s0 =	simm.s32 @!p1 $0x0  }
0x14: {  	s2 =	sld [smem:$0x3F98];
	s0 =	simm.s32 @p1 $0x1  }
0x15: {  	[smem:$0x3FB5] =	sst s0;
	s0 =	simm.s32 @!p2 $0x0  }
0x16: {  	s3 =	sld [smem:$0x3FDB];
	s0 =	simm.s32 @p2 $0x1  }
0x17: {  	s4 =	simm.s32 $0x1BF5;
	[smem:$0x3FB7] =	sst s0  }
0x18: {  	s0 =	sld [smem:$0x3F9A];
	_ =	swait.ge [sflag:s4], $0x0  }
0x19: {  	s7 =	sld [smem:$0x3F9B]  }
0x1a: {  	s8 =	sadd.s32 $0xFFFFE003, lr  }
0x1b: {  	s9 =	sadd.s32 $0xFFFFFEF7, lr;
	s5 =	simm.s32 $0xFFFFFFFF;
	p2 =	slt.u32 s8, $0xFFFFF086  }
0x1c: {  	p1 =	slt.u32 s9, $0xF7A;
	s5 =	simm.s32 @!p2 $0x0  }
0x1d: {  	s5 =	simm.s32 @p1 $0x1;
	p0 =	seq.s32 s7, s2  }
0x1e: {  	s7 =	smul.u32 @!p0 $0xF7A, s2;
	p2 =	seq.s32 @!p0 s5, $0x0  }
0x1f: {  	s9 =	smul.u32 $0xF7A, s1;
	s8 =	simm.s32 @!p0 $0x1BF5;
	p2 =	por !p2, p0  }
0x20: {  	[sflag:s8] =	ssyncset.s32 @!p0 $0xFFFFF086;
	s6 =	sadd.s32 @!p0 s3, s7;
	s7 =	simm.s32 @!p0 $0x108  }
0x21: {  	s3 =	sadd.s32 s3, s9;
	s6 =	sadd.s32 @!p0 $0x88, s6;
	s7 =	simm.s32 @p2 $0x1082  }
0x22: {  	[simem:s7], [sflag:s8] =	dma.local @!p0 [hbm:s6], $0xF7A  }
0x23: {  	s9 =	sor.u32 $0xD0000000, s2;
	s6 =	simm.s32 $0x108;
	_ =	swait.ge @!p0 [sflag:s8], $0x0  }
0x24: {  	s3 =	sadd.s32 $0x88, s3;
	s6 =	simm.s32 @!p1 $0x1082;
	[sflag:s4] =	ssyncset.s32 $0xFFFFF086  }
0x25: {  	[simem:s6], [sflag:s4] =	dma.local [hbm:s3], $0xF7A  }
0x26: {  	[smem:$0x3F9B] =	sst s1;
	(tag) =	ssettag s2;
	_ =	strace s9  }
0x27: {  	s1 =	sld [smem:$0x3FAB]  }
0x28: {  	s2 =	sld [smem:$0x3FAC]  }
0x29: {  	s4 =	sld [smem:$0x3FAE]  }
0x2a: {  	p0 =	seq.s32 s5, $0x0;
	s5 =	sld [smem:$0x3FAF]  }
0x2b: {  	s6 =	sld [smem:$0x3FB0]  }
0x2c: {  	s7 =	sld [smem:$0x3FB1]  }
0x2d: {  	s3 =	simm.s32 $0x108;
	s8 =	sld [smem:$0x3FB2]  }
0x2e: {  	s3 =	simm.s32 @!p0 $0x1082;
	s9 =	sld [smem:$0x3FB3]  }
0x2f: {  	lr =	sadd.s32 s0, s3;
	s0 =	sld [smem:$0x3FAA]  }
0x30: {  	s3 =	sld [smem:$0x3FAD]  }
0x31: {  	[smem:$0x3FB6] =	sst s10  }
0x32: {  	s10 =	sld [smem:$0x3FB4];
	_ =	sdelay $0x3  }
0x33: {  	p0 =	seq.s32 s10, $0x1;
	s10 =	sld [smem:$0x3FB6];
	_ =	sdelay $0x3  }
0x34: {  	[smem:$0x3FB6] =	sst s10  }
0x35: {  	s10 =	sld [smem:$0x3FB5];
	_ =	sdelay $0x3  }
0x36: {  	p1 =	seq.s32 s10, $0x1;
	s10 =	sld [smem:$0x3FB6];
	_ =	sdelay $0x3  }
0x37: {  	[smem:$0x3FB6] =	sst s10  }
0x38: {  	s10 =	sld [smem:$0x3FB7]  }
0x39: {  	_ = 	snop;
	(pc) =	sbr.ind lr, $3  }
0x3a: {  	_ = 	snop  }
0x3b: {  	_ = 	snop  }
0x3c: {  	p2 =	seq.s32 s10, $0x1;
	s10 =	sld [smem:$0x3FB6]  }
0x3d: {  	_ =	shalt  }
0x3e: {  	_ =	shalt  }
0x3f: {  	_ =	shalt  }
0x40: {  	_ =	shalt  }
0x41: {  	_ =	shalt  }
0x42: {  	_ =	shalt  }
0x43: {  	_ =	shalt  }
0x44: {  	_ =	shalt  }
0x45: {  	_ =	shalt  }
0x46: {  	_ =	shalt  }
0x47: {  	_ =	shalt  }
0x48: {  	_ =	shalt  }
0x49: {  	_ =	shalt  }
0x4a: {  	_ =	shalt  }
0x4b: {  	_ =	shalt  }
0x4c: {  	_ =	shalt  }
0x4d: {  	_ =	shalt  }
0x4e: {  	_ =	shalt  }
0x4f: {  	_ =	shalt  }
0x50: {  	_ =	shalt  }
0x51: {  	_ =	shalt  }
0x52: {  	_ =	shalt  }
0x53: {  	_ =	shalt  }
0x54: {  	_ =	shalt  }
0x55: {  	_ =	shalt  }
0x56: {  	_ =	shalt  }
0x57: {  	_ =	shalt  }
0x58: {  	_ =	shalt  }
0x59: {  	_ =	shalt  }
0x5a: {  	_ =	shalt  }
0x5b: {  	_ =	shalt  }
0x5c: {  	_ =	shalt  }
0x5d: {  	_ =	shalt  }
0x5e: {  	_ =	shalt  }
0x5f: {  	_ =	shalt  }
0x60: {  	_ =	shalt  }
0x61: {  	_ =	shalt  }
0x62: {  	_ =	shalt  }
0x63: {  	_ =	shalt  }
0x64: {  	_ =	shalt  }
0x65: {  	_ =	shalt  }
0x66: {  	_ =	shalt  }
0x67: {  	_ =	shalt  }
0x68: {  	_ =	shalt  }
0x69: {  	_ =	shalt  }
0x6a: {  	_ =	shalt  }
0x6b: {  	_ =	shalt  }
0x6c: {  	_ =	shalt  }
0x6d: {  	_ =	shalt  }
0x6e: {  	_ =	shalt  }
0x6f: {  	_ =	shalt  }
0x70: {  	_ =	shalt  }
0x71: {  	_ =	shalt  }
0x72: {  	_ =	shalt  }
0x73: {  	_ =	shalt  }
0x74: {  	_ =	shalt  }
0x75: {  	_ =	shalt  }
0x76: {  	_ =	shalt  }
0x77: {  	_ =	shalt  }
0x78: {  	_ =	shalt  }
0x79: {  	_ =	shalt  }
0x7a: {  	_ =	shalt  }
0x7b: {  	_ =	shalt  }
0x7c: {  	_ =	shalt  }
0x7d: {  	_ =	shalt  }
0x7e: {  	_ =	shalt  }
0x7f: {  	_ =	shalt  }
0x80: {  	_ =	shalt  }
0x81: {  	_ =	shalt  }
0x82: {  	_ =	shalt  }
0x83: {  	_ =	shalt  }
0x84: {  	_ =	shalt  }
0x85: {  	_ =	shalt  }
0x86: {  	_ =	shalt  }
0x87: {  	_ =	shalt  }
.Lfunc_end0:
.L_simem_size_0:
called_computation.2_lowered:
.L_overlay_start_0:
0x88: {  	s2 =	sld [smem:$0x3FD9]  }
0x89: {  	s3 =	sld [smem:$0x3FFE];
	_ =	sdelay $0x1  }
0x8a: {  	s1 =	srdreg.scid  }
0x8b: {  	s0 =	sand.u32 $0x1, s1  }
0x8c: {  	s16 =	sshll.u32 s0, $0xA;
	s2 =	sadd.s32 s3, s2  }
0x8d: {  	s2 =	sadd.s32 s2, s16  }
0x8e: {  	[smem:$0x3FC2] =	sst s2  }
0x8f: {  	_ = 	snop  }
0x90: {  	(tm) =	ssettm $0x1  }
0x91: {  	s17 =	sld [smem:$0x3FFB];
	_ =	sdelay $0x3  }
0x92: {  	_ =	strace s17  }
0x93: {  	s2 =	sld [smem:$0x3FFC];
	_ =	sdelay $0x3  }
0x94: {  	_ =	strace s2  }
0x95: {  	s2 =	sld [smem:$0x3FFD];
	_ =	sdelay $0x3  }
0x96: {  	_ =	strace s2  }
0x97: {  	_ =	strace $0x8FFFFFFF  }
0x98: {  	s18 =	sld [smem:$0x3FDB];
	_ =	sdelay $0x1  }
0x99: {  	s19 =	simm.s32 $_scs_section_size  }
0x9a: {  	s4 =	simm.s32 $_size__tile_overlayer_lowered;
	s5 =	simm.s32 $_tile_overlayer_lowered  }
0x9b: {  	s22 =	simm.s32 $0x1BFF;
	s21 =	sshll.u32 s5, $0x1;
	s2 =	sadd.s32 s19, s18  }
0x9c: {  	s6 =	simm.s32 $0x0;
	s20 =	sshll.u32 s4, $0x1;
	s4 =	sadd.s32 s21, s2  }
0x9d: {  	[timem:s6], [sflag:s22] =	dma.local [hbm:s4], s20  }
0x9e: {  	_ =	swait.ge [sflag:s22], s20  }
0x9f: {  	s3 =	ssub.s32 $0x0, s20;
	[sflag:s22] =	ssyncset.done $0x0  }
0xa0: {  	[sflag:s22] =	ssyncadd.s32 s3;
	_ =	sdelay $0x1  }
0xa1: {  	s23 =	simm.s32 $0x1B8B  }
0xa2: {  	_ =	swait.ge [sflag:s23], $0x1  }
0xa3: {  	[sflag:s23] =	ssyncset.done $0x0  }
0xa4: {  	s25 =	simm.s32 $0x1B8E;
	s24 =	sld [smem:$0x3FFE];
	[sflag:s23] =	ssyncadd.s32 $0xFFFFFFFF  }
0xa5: {  	s26 =	simm.s32 $execute0_lowered;
	[smem:$0x3FD2] =	sst s25  }
0xa6: {  	s4 =	sshll.u32 s26, $0x1;
	_ =	strace $0x8000004C;
	[dreg:$0x1] =	wrdreg $0xFFFFFFFF  }
0xa7: {  	s28 =	simm.s32 $_size_execute0_lowered;
	s2 =	sadd.s32 s2, s4;
	[dreg:$0x0] =	wrdreg $0x0  }
0xa8: {  	s4 =	sshll.u32 s28, $0x1;
	[dreg:$0x2] =	wrdreg s2  }
0xa9: {  	[dreg:$0x3] =	wrdreg s4  }
0xaa: {  	[dreg:$0x4] =	wrdreg $0xC0  }
0xab: {  	_ =	task [dreg:s6], $0x5FFFF  }
0xac: {  	[dreg:$0x1] =	wrdreg $0xFFFFFFFF  }
0xad: {  	[dreg:$0x0] =	wrdreg $0x60  }
0xae: {  	[dreg:$0x2] =	wrdreg s24  }
0xaf: {  	[dreg:$0x3] =	wrdreg $0xA8000  }
0xb0: {  	[dreg:$0x4] =	wrdreg $0x9  }
0xb1: {  	_ =	task.clear_ibuf [dreg:s6], $0x5FFFF;
	_ =	strace $0x9000004C  }
0xb2: {  	s29 =	simm.s32 $0x9;
	_ =	strace $0x8000004E  }
0xb3: {  	_ =	swait.ge [sflag:s29], $0x1  }
0xb4: {  	[sflag:s29] =	ssyncadd.s32 $0xFFFFFFFF  }
0xb5: {  	_ =	strace $0x9000004E  }
0xb6: {  	_ =	sfence  }
0xb7: {  	s30 =	sld [smem:$0x0];
	_ =	sdelay $0x2  }
0xb8: {  	s31 =	sshll.u32 s1, $0xD;
	s1 =	sshrl.u32 s1, $0x2  }
0xb9: {  	s3 =	sand.u32 $0x4000, s31;
	s1 =	sadd.s32 s1, s30  }
0xba: {  	s0 =	sor.u32 s3, s0;
	s1 =	sshll.u32 s1, $0x11  }
0xbb: {  	s0 =	sor.u32 s1, s0  }
0xbc: {  	s0 =	sadd.s32 $0x8F2B, s0  }
0xbd: {  	[sflag:s0] =	ssyncadd.remote.s32 $0x1  }
0xbe: {  	_ =	sfence.sel $0xFFFF  }
0xbf: {  	[dreg:$0x0] =	wrdreg $0xFFFFFFFF;
	(pc) =	sbr.abs _section_cstart, $3  }
0xc0: {  	[dreg:$0x1] =	wrdreg $0xFFFFFFFF  }
0xc1: {  	_ =	task.clear_ibuf [dreg:s6], $0x2FFFF;
	_ =	strace $0x9FFFFFFF  }
0xc2: {  	(tm) =	ssettm $0x7FFFFFFF  }
0xc3: {  	_ =	shalt  }
tec
execute0_lowered:
.L_overlay_start_1:
0x0: {  	(tag) =	ssettag $0x1  }
0x1: {  	s0 =	srdreg.scid;
	s6 =	rddreg [dreg:$0x0]  }
0x2: {  	s2 =	rddreg [dreg:$0x1];
	s3 =	simm.s32 $0x0;
	s16 =	simm.s32 $0x2800  }
0x3: {  	s17 =	simm.s32 $0x3;
	s18 =	simm.s32 $0x1400;
	s19 =	simm.s32 $0x80  }
0x4: {  	s20 =	simm.s32 $0x6800;
	s5 =	sand.u32 $0x1, s0;
	s0 =	stileid.u32  }
0x5: {  	s21 =	simm.s32 $0x1;
	s22 =	simm.s32 $0x2;
	s7 =	smul.u32 $0x2800, s0  }
0x6: {  	[smem:$0x7FF] =	sst s3;
	s1 =	sshll.u32 s5, $0x4;
	s8 =	smul.u32 $0x28000, s5  }
0x7: {  	s11 =	smul.u32 $0x50000, s0;
	s26 =	ssub.s32 $0x2, s5;
	s4 =	sor.u32 s0, s1  }
0x8: {  	s1 =	rddreg [dreg:$0x2];
	_ =	strace $0x8000004D;
	s30 =	sshrl.u32 s26, $0x1  }
0x9: {  	s4 =	smul.u32 $0x2800, s4;
	s10 =	sshrl.u32 s7, $0x3;
	s7 =	sadd.s32 s7, s8  }
0xa: {  	s28 =	sshrl.u32 s11, $0x2;
	s31 =	ssub.s32 s26, s30;
	s15 =	sadd.s32 s10, s6  }
0xb: {  	s29 =	sadd.s32 s7, s6;
	s5 =	sadd.s32 s28, s2;
	s11 =	smax.u32 s31, $0x1  }
0xc: {  	s9 =	sshrl.u32 s4, $0x3;
	s4 =	sadd.s32 $0x6600, s6;
	s7 =	sadd.s32 $0x8000, s5  }
0xd: {  	s8 =	sadd.s32 $0xC000, s5;
	s10 =	sadd.s32 $0x60600, s29;
	s13 =	sadd.s32 $0x1600, s15  }
0xe: {  	s15 =	sadd.s32 $0x1880, s15;
	s14 =	sadd.s32 s9, s6;
	s6 =	sadd.s32 $0x4000, s5  }
0xf: {  	v0 =	vimm.f32 $0.0e+00;
	s9 =	sadd.s32 $0x10000, s5;
	s12 =	sadd.s32 $0x56600, s14;
	s14 =	sadd.s32 $0x56880, s14  }
.LBB2_1:
0x10: {  	s23 =	simm.s32 $0x0;
	s24 =	simm.s32 $0x200  }
.LBB2_2:
0x11: {  	p0 =	sne.s32 s24, $0xFE00;
	[tilespmem:s23+$0x2870] =	vst v0  }
0x12: {  	[tilespmem:s23+$0x2800] =	vst v0  }
0x13: {  	[tilespmem:s23+$0x2810] =	vst v0  }
.Ltmp0:
0x14: {  	[tilespmem:s23+$0x2820] =	vst v0;
	(pc) =	sbr.rel @p0 .LBB2_2-.Ltmp0, $4  }
0x15: {  	[tilespmem:s23+$0x2830] =	vst v0  }
0x16: {  	[tilespmem:s23+$0x2840] =	vst v0  }
0x17: {  	[tilespmem:s23+$0x2850] =	vst v0  }
0x18: {  	[tilespmem:s23+$0x2860] =	vst v0;
	s23 =	sshra.s32 s24, $0x2;
	s24 =	sadd.s32 $0x200, s24  }
0x19: {  	[tilespmem:s23+$0x2870] =	vst v0  }
0x1a: {  	[tilespmem:s23+$0x2800] =	vst v0  }
0x1b: {  	[tilespmem:s23+$0x2810] =	vst v0  }
0x1c: {  	[tilespmem:s23+$0x2820] =	vst v0  }
0x1d: {  	[tilespmem:s23+$0x2830] =	vst v0  }
0x1e: {  	[tilespmem:s23+$0x2840] =	vst v0  }
0x1f: {  	[tilespmem:s23+$0x2850] =	vst v0  }
0x20: {  	[tilespmem:s23+$0x2860] =	vst v0  }
0x21: {  	[spmem:s5] =	stream.linear.scatter [tilespmem:s16], [sflag:$0x3], $0x4000, $0x38;
	[tilespmem:$0x1E800] =	vst v63  }
0x22: {  	_ =	swait.ge [sflag:s17], $0x4000  }
0x23: {  	[sflag:s17] =	ssyncset.done $0x0  }
0x24: {  	[sflag:s17] =	ssyncadd.s32 $0xFFFFC000  }
0x25: {  	[spmem:s6] =	stream.linear.scatter [tilespmem:s16], [sflag:$0x3], $0x4000, $0x38;
	[tilespmem:$0x1E800] =	vst v63  }
0x26: {  	_ =	swait.ge [sflag:s17], $0x4000  }
0x27: {  	[sflag:s17] =	ssyncset.done $0x0  }
0x28: {  	[sflag:s17] =	ssyncadd.s32 $0xFFFFC000  }
0x29: {  	[spmem:s7] =	stream.linear.scatter [tilespmem:s16], [sflag:$0x3], $0x4000, $0x38;
	[tilespmem:$0x1E800] =	vst v63  }
0x2a: {  	_ =	swait.ge [sflag:s17], $0x4000  }
0x2b: {  	[sflag:s17] =	ssyncset.done $0x0  }
0x2c: {  	[sflag:s17] =	ssyncadd.s32 $0xFFFFC000  }
0x2d: {  	[spmem:s8] =	stream.linear.scatter [tilespmem:s16], [sflag:$0x3], $0x4000, $0x38;
	[tilespmem:$0x1E800] =	vst v63  }
0x2e: {  	_ =	swait.ge [sflag:s17], $0x4000  }
0x2f: {  	[sflag:s17] =	ssyncset.done $0x0  }
0x30: {  	[sflag:s17] =	ssyncadd.s32 $0xFFFFC000  }
0x31: {  	[spmem:s9] =	stream.linear.scatter [tilespmem:s16], [sflag:$0x3], $0x4000, $0x38;
	[tilespmem:$0x1E800] =	vst v63  }
0x32: {  	_ =	swait.ge [sflag:s17], $0x4000  }
0x33: {  	[sflag:s17] =	ssyncset.done $0x0  }
0x34: {  	[sflag:s17] =	ssyncadd.s32 $0xFFFFC000  }
0x35: {  	s26 =	simm.s32 $0x0;
	[bflag:$0x0] =	sbarrier.arrive $0xFFFF  }
0x36: {  	[tilespmem:s26], [sflag:$0x3] =	stream.linear.gather [hbm4b:s12+s26], $0x1400, $0x38;
	[tilespmem:$0x1E800] =	vst v63  }
0x37: {  	_ =	swait.ge [sflag:s17], $0x1400  }
0x38: {  	[sflag:s17] =	ssyncset.done $0x0  }
0x39: {  	[sflag:s17] =	ssyncadd.s32 $0xFFFFEC00  }
0x3a: {  	[tilespmem:s18], [sflag:$0x3] =	stream.linear.gather [hbm4b:s13+s26], $0x1400, $0x38;
	[tilespmem:$0x1E800] =	vst v63  }
0x3b: {  	_ =	swait.ge [sflag:s17], $0x1400  }
0x3c: {  	[sflag:s17] =	ssyncset.done $0x0  }
0x3d: {  	s28 =	simm.s32 $0x0;
	[sflag:s17] =	ssyncadd.s32 $0xFFFFEC00  }
0x3e: {  	[tilespmem:s16], [sflag:$0x1] =	stream.indirect.gather [hbm4b:s4+s19], $0x80, s28, s19, $0xb8;
	[tilespmem:$0x1E800] =	vst v63  }
0x3f: {  	s29 =	simm.s32 $0x80  }
0x40: {  	[tilespmem:s20], [sflag:$0x2] =	stream.indirect.gather [hbm4b:s4+s19], $0x80, s29, s19, $0xb8;
	[tilespmem:$0x1E800] =	vst v63  }
0x41: {  	_ =	swait.ge [sflag:s21], $0x4000  }
0x42: {  	[sflag:s21] =	ssyncset.done $0x0  }
0x43: {  	s30 =	simm.s32 $0x1400;
	[sflag:s21] =	ssyncadd.s32 $0xFFFFC000  }
0x44: {  	[spmem:s2] =	stream.indirect.scatter.add.f32 [tilespmem:s16], [sflag:$0x3], $0x80, s30, s19, $0xb8;
	[tilespmem:$0x1E800] =	vst v63  }
0x45: {  	_ =	swait.ge [sflag:s17], $0x4000  }
0x46: {  	[sflag:s17] =	ssyncset.done $0x0  }
0x47: {  	[sflag:s17] =	ssyncadd.s32 $0xFFFFC000  }
0x48: {  	_ =	swait.ge [sflag:s22], $0x4000  }
0x49: {  	[sflag:s22] =	ssyncset.done $0x0  }
0x4a: {  	s31 =	simm.s32 $0x1480;
	[sflag:s22] =	ssyncadd.s32 $0xFFFFC000  }
0x4b: {  	[spmem:s2] =	stream.indirect.scatter.add.f32 [tilespmem:s20], [sflag:$0x3], $0x80, s31, s19, $0xb8;
	[tilespmem:$0x1E800] =	vst v63  }
0x4c: {  	_ =	swait.ge [sflag:s17], $0x4000  }
0x4d: {  	s23 =	simm.s32 $0x400;
	s24 =	simm.s32 $0x800;
	[sflag:s17] =	ssyncset.done $0x0  }
.LBB2_4:
0x4e: {  	s25 =	sshra.s32 s23, $0x2  }
0x4f: {  	[sflag:s17] =	ssyncadd.s32 $0xFFFFC000;
	s23 =	smov.u32 s24;
	s26 =	sadd.s32 $0x400, s24  }
0x50: {  	[tilespmem:s16], [sflag:$0x1] =	stream.indirect.gather [hbm4b:s4+s19], $0x80, s25, s19, $0xb8;
	[tilespmem:$0x1E800] =	vst v63  }
0x51: {  	p0 =	sne.s32 s24, $0x4C00;
	s24 =	sadd.s32 $0x80, s25  }
0x52: {  	[tilespmem:s20], [sflag:$0x2] =	stream.indirect.gather [hbm4b:s4+s19], $0x80, s24, s19, $0xb8;
	[tilespmem:$0x1E800] =	vst v63  }
0x53: {  	_ =	swait.ge [sflag:s21], $0x4000  }
0x54: {  	[sflag:s21] =	ssyncset.done $0x0  }
0x55: {  	s24 =	sadd.s32 $0x1400, s25;
	[sflag:s21] =	ssyncadd.s32 $0xFFFFC000  }
0x56: {  	[spmem:s2] =	stream.indirect.scatter.add.f32 [tilespmem:s16], [sflag:$0x3], $0x80, s24, s19, $0xb8;
	[tilespmem:$0x1E800] =	vst v63  }
0x57: {  	_ =	swait.ge [sflag:s17], $0x4000  }
0x58: {  	[sflag:s17] =	ssyncset.done $0x0  }
0x59: {  	[sflag:s17] =	ssyncadd.s32 $0xFFFFC000  }
0x5a: {  	_ =	swait.ge [sflag:s22], $0x4000  }
.Ltmp1:
0x5b: {  	[sflag:s22] =	ssyncset.done $0x0;
	(pc) =	sbr.rel @p0 .LBB2_4-.Ltmp1, $4  }
0x5c: {  	s24 =	sadd.s32 $0x1480, s25;
	[sflag:s22] =	ssyncadd.s32 $0xFFFFC000  }
0x5d: {  	[spmem:s2] =	stream.indirect.scatter.add.f32 [tilespmem:s20], [sflag:$0x3], $0x80, s24, s19, $0xb8;
	[tilespmem:$0x1E800] =	vst v63  }
0x5e: {  	_ =	swait.ge [sflag:s17], $0x4000  }
0x5f: {  	s24 =	smov.u32 s26;
	[sflag:s17] =	ssyncset.done $0x0  }
0x60: {  	s23 =	sshra.s32 s23, $0x2;
	[sflag:s17] =	ssyncadd.s32 $0xFFFFC000  }
0x61: {  	[tilespmem:s16], [sflag:$0x1] =	stream.indirect.gather [hbm4b:s4+s19], $0x80, s23, s19, $0xb8;
	[tilespmem:$0x1E800] =	vst v63  }
0x62: {  	s24 =	sadd.s32 $0x80, s23  }
0x63: {  	[tilespmem:s20], [sflag:$0x2] =	stream.indirect.gather [hbm4b:s4+s19], $0x80, s24, s19, $0xb8;
	[tilespmem:$0x1E800] =	vst v63  }
0x64: {  	_ =	swait.ge [sflag:s21], $0x4000  }
0x65: {  	[sflag:s21] =	ssyncset.done $0x0  }
0x66: {  	s25 =	sadd.s32 $0x1400, s23;
	[sflag:s21] =	ssyncadd.s32 $0xFFFFC000  }
0x67: {  	[spmem:s2] =	stream.indirect.scatter.add.f32 [tilespmem:s16], [sflag:$0x3], $0x80, s25, s19, $0xb8;
	[tilespmem:$0x1E800] =	vst v63  }
0x68: {  	_ =	swait.ge [sflag:s17], $0x4000  }
0x69: {  	[sflag:s17] =	ssyncset.done $0x0  }
0x6a: {  	[sflag:s17] =	ssyncadd.s32 $0xFFFFC000  }
0x6b: {  	_ =	swait.ge [sflag:s22], $0x4000  }
0x6c: {  	[sflag:s22] =	ssyncset.done $0x0  }
0x6d: {  	s23 =	sadd.s32 $0x1480, s23;
	[sflag:s22] =	ssyncadd.s32 $0xFFFFC000  }
0x6e: {  	[spmem:s2] =	stream.indirect.scatter.add.f32 [tilespmem:s20], [sflag:$0x3], $0x80, s23, s19, $0xb8;
	[tilespmem:$0x1E800] =	vst v63  }
0x6f: {  	_ =	swait.ge [sflag:s17], $0x4000  }
0x70: {  	[sflag:s17] =	ssyncset.done $0x0  }
0x71: {  	s26 =	simm.s32 $0x0;
	[sflag:s17] =	ssyncadd.s32 $0xFFFFC000  }
0x72: {  	[tilespmem:s26], [sflag:$0x3] =	stream.linear.gather [hbm4b:s14+s26], $0x1400, $0x38;
	[tilespmem:$0x1E800] =	vst v63  }
0x73: {  	_ =	swait.ge [sflag:s17], $0x1400  }
0x74: {  	[sflag:s17] =	ssyncset.done $0x0  }
0x75: {  	[sflag:s17] =	ssyncadd.s32 $0xFFFFEC00  }
0x76: {  	[tilespmem:s18], [sflag:$0x3] =	stream.linear.gather [hbm4b:s15+s26], $0x1400, $0x38;
	[tilespmem:$0x1E800] =	vst v63  }
0x77: {  	_ =	swait.ge [sflag:s17], $0x1400  }
0x78: {  	[sflag:s17] =	ssyncset.done $0x0  }
0x79: {  	s28 =	simm.s32 $0x0;
	[sflag:s17] =	ssyncadd.s32 $0xFFFFEC00  }
0x7a: {  	[tilespmem:s16], [sflag:$0x1] =	stream.indirect.gather [hbm4b:s4+s19], $0x80, s28, s19, $0xb8;
	[tilespmem:$0x1E800] =	vst v63  }
0x7b: {  	s29 =	simm.s32 $0x80  }
0x7c: {  	[tilespmem:s20], [sflag:$0x2] =	stream.indirect.gather [hbm4b:s4+s19], $0x80, s29, s19, $0xb8;
	[tilespmem:$0x1E800] =	vst v63  }
0x7d: {  	_ =	swait.ge [sflag:s21], $0x4000  }
0x7e: {  	[sflag:s21] =	ssyncset.done $0x0  }
0x7f: {  	s30 =	simm.s32 $0x1400;
	[sflag:s21] =	ssyncadd.s32 $0xFFFFC000  }
0x80: {  	[spmem:s2] =	stream.indirect.scatter.add.f32 [tilespmem:s16], [sflag:$0x3], $0x80, s30, s19, $0xb8;
	[tilespmem:$0x1E800] =	vst v63  }
0x81: {  	_ =	swait.ge [sflag:s17], $0x4000  }
0x82: {  	[sflag:s17] =	ssyncset.done $0x0  }
0x83: {  	[sflag:s17] =	ssyncadd.s32 $0xFFFFC000  }
0x84: {  	_ =	swait.ge [sflag:s22], $0x4000  }
0x85: {  	[sflag:s22] =	ssyncset.done $0x0  }
0x86: {  	s31 =	simm.s32 $0x1480;
	[sflag:s22] =	ssyncadd.s32 $0xFFFFC000  }
0x87: {  	[spmem:s2] =	stream.indirect.scatter.add.f32 [tilespmem:s20], [sflag:$0x3], $0x80, s31, s19, $0xb8;
	[tilespmem:$0x1E800] =	vst v63  }
0x88: {  	_ =	swait.ge [sflag:s17], $0x4000  }
0x89: {  	s24 =	simm.s32 $0x800;
	s23 =	simm.s32 $0x400;
	[sflag:s17] =	ssyncset.done $0x0  }
.LBB2_6:
0x8a: {  	s25 =	sshra.s32 s23, $0x2  }
0x8b: {  	[sflag:s17] =	ssyncadd.s32 $0xFFFFC000;
	s23 =	smov.u32 s24;
	s26 =	sadd.s32 $0x400, s24  }
0x8c: {  	[tilespmem:s16], [sflag:$0x1] =	stream.indirect.gather [hbm4b:s4+s19], $0x80, s25, s19, $0xb8;
	[tilespmem:$0x1E800] =	vst v63  }
0x8d: {  	p0 =	sne.s32 s24, $0x4C00;
	s24 =	sadd.s32 $0x80, s25  }
0x8e: {  	[tilespmem:s20], [sflag:$0x2] =	stream.indirect.gather [hbm4b:s4+s19], $0x80, s24, s19, $0xb8;
	[tilespmem:$0x1E800] =	vst v63  }
0x8f: {  	_ =	swait.ge [sflag:s21], $0x4000  }
0x90: {  	[sflag:s21] =	ssyncset.done $0x0  }
0x91: {  	s24 =	sadd.s32 $0x1400, s25;
	[sflag:s21] =	ssyncadd.s32 $0xFFFFC000  }
0x92: {  	[spmem:s2] =	stream.indirect.scatter.add.f32 [tilespmem:s16], [sflag:$0x3], $0x80, s24, s19, $0xb8;
	[tilespmem:$0x1E800] =	vst v63  }
0x93: {  	_ =	swait.ge [sflag:s17], $0x4000  }
0x94: {  	[sflag:s17] =	ssyncset.done $0x0  }
0x95: {  	[sflag:s17] =	ssyncadd.s32 $0xFFFFC000  }
0x96: {  	_ =	swait.ge [sflag:s22], $0x4000  }
.Ltmp2:
0x97: {  	[sflag:s22] =	ssyncset.done $0x0;
	(pc) =	sbr.rel @p0 .LBB2_6-.Ltmp2, $4  }
0x98: {  	s24 =	sadd.s32 $0x1480, s25;
	[sflag:s22] =	ssyncadd.s32 $0xFFFFC000  }
0x99: {  	[spmem:s2] =	stream.indirect.scatter.add.f32 [tilespmem:s20], [sflag:$0x3], $0x80, s24, s19, $0xb8;
	[tilespmem:$0x1E800] =	vst v63  }
0x9a: {  	_ =	swait.ge [sflag:s17], $0x4000  }
0x9b: {  	s24 =	smov.u32 s26;
	[sflag:s17] =	ssyncset.done $0x0  }
0x9c: {  	s23 =	sshra.s32 s23, $0x2;
	[sflag:s17] =	ssyncadd.s32 $0xFFFFC000  }
0x9d: {  	[tilespmem:s16], [sflag:$0x1] =	stream.indirect.gather [hbm4b:s4+s19], $0x80, s23, s19, $0xb8;
	[tilespmem:$0x1E800] =	vst v63  }
0x9e: {  	s24 =	sadd.s32 $0x80, s23  }
0x9f: {  	[tilespmem:s20], [sflag:$0x2] =	stream.indirect.gather [hbm4b:s4+s19], $0x80, s24, s19, $0xb8;
	[tilespmem:$0x1E800] =	vst v63  }
0xa0: {  	_ =	swait.ge [sflag:s21], $0x4000  }
0xa1: {  	[sflag:s21] =	ssyncset.done $0x0  }
0xa2: {  	s29 =	sadd.s32 $0x1400, s23;
	[sflag:s21] =	ssyncadd.s32 $0xFFFFC000  }
0xa3: {  	[spmem:s2] =	stream.indirect.scatter.add.f32 [tilespmem:s16], [sflag:$0x3], $0x80, s29, s19, $0xb8;
	[tilespmem:$0x1E800] =	vst v63  }
0xa4: {  	_ =	swait.ge [sflag:s17], $0x4000  }
0xa5: {  	[sflag:s17] =	ssyncset.done $0x0  }
0xa6: {  	[sflag:s17] =	ssyncadd.s32 $0xFFFFC000  }
0xa7: {  	_ =	swait.ge [sflag:s22], $0x4000  }
0xa8: {  	[sflag:s22] =	ssyncset.done $0x0  }
0xa9: {  	s23 =	sadd.s32 $0x1480, s23;
	[sflag:s22] =	ssyncadd.s32 $0xFFFFC000  }
0xaa: {  	[spmem:s2] =	stream.indirect.scatter.add.f32 [tilespmem:s20], [sflag:$0x3], $0x80, s23, s19, $0xb8;
	[tilespmem:$0x1E800] =	vst v63  }
0xab: {  	_ =	swait.ge [sflag:s17], $0x4000  }
0xac: {  	s30 =	sshll.u32 s0, $0x6;
	s3 =	sadd.s32 $0x1, s3;
	[sflag:s17] =	ssyncset.done $0x0  }
0xad: {  	s31 =	sshrl.u32 s5, $0x3;
	p0 =	sne.s32 s3, s11;
	[sflag:s17] =	ssyncadd.s32 $0xFFFFC000  }
.Ltmp3:
0xae: {  	s23 =	sor.u32 $0x1C03, s30;
	[bflag:$0x0] =	sbarrier.arrive $0xFFFF;
	(pc) =	sbr.rel @p0 .LBB2_1-.Ltmp3, $4  }
0xaf: {  	[hbm:s10], [sflag:s23] =	dma.local [spmem:s31], $0x2800  }
0xb0: {  	_ =	swait.ge [sflag:s17], $0x2800  }
0xb1: {  	[sflag:s17] =	ssyncset.done $0x0  }
0xb2: {  	[sflag:s17] =	ssyncadd.s32 $0xFFFFD800  }
0xb3: {  	_ =	sfence.sel $0x180000  }
0xb4: {  	[bflag:$0x0] =	sbarrier.arrive $0xFFFF  }
0xb5: {  	p0 =	sne.s32 s0, $0x0;
	_ =	strace $0x9000004D  }
0xb6: {  	s0 =	sadd.s32 @!p0 $0x100000, s1;
	[bflag:$0x2] =	sbarrier.arrive $0xFFFF  }
0xb7: {  	[sflag:s0] =	ssyncadd.tile.s32 @!p0 $0x1;
	_ =	shalt  }
.Lfunc_end2:
_tile_overlayer_lowered:
.L_overlay_start_2:
0xb8: {  	(tag) =	ssettag $0x2  }
0xb9: {  	s0 =	rddreg [dreg:$0x0];
	s2 =	stileid.u32  }
0xba: {  	s1 =	rddreg [dreg:$0x1];
	p0 =	sne.s32 s2, $0x0  }
0xbb: {  	s3 =	rddreg [dreg:$0x2];
	[bflag:$0x3] =	sbarrier.arrive $0xFFFF;
	s2 =	simm.s32 @!p0 $0x1C03  }
0xbc: {  	[timem:s3], [sflag:s2] =	dma.local @!p0 [hbm:s0], s1  }
0xbd: {  	s0 =	simm.s32 @!p0 $0x3  }
0xbe: {  	_ =	swait.ge @!p0 [sflag:s0], s1  }
0xbf: {  	s1 =	ssub.s32 @!p0 $0x0, s1;
	[sflag:s0] =	ssyncset.done @!p0 $0x0  }
0xc0: {  	[sflag:s0] =	ssyncadd.s32 @!p0 s1  }
0xc1: {  	[bflag:$0x3] =	sbarrier.arrive $0xFFFF  }
0xc2: {  	_ =	shalt  }

// kernel: kernel.8.cloned.1.call-start
scs
__scs_entry_jumppad:
0x0: {  	(pc) =	sbr.rel $0x88, $3  }
0x1: {  	(tag) =	ssettag $0x0;
	lr =	simm.s32 $0x1  }
0x2: {  	[smem:$0x3F9B] =	sst lr;
	_ =	strace $0xD0000000  }
0x3: {  	_ = 	snop  }
0x4: {  	_ = 	snop  }
0x5: {  	_ = 	snop  }
0x6: {  	_ = 	snop  }
0x7: {  	_ = 	snop  }
__scs_overlays_trampoline_lowered:
0x8: {  	[smem:$0x3FAA] =	sst s0  }
0x9: {  	[smem:$0x3FAB] =	sst s1  }
0xa: {  	[smem:$0x3FAC] =	sst s2  }
0xb: {  	[smem:$0x3FAD] =	sst s3  }
0xc: {  	[smem:$0x3FAE] =	sst s4  }
0xd: {  	[smem:$0x3FAF] =	sst s5  }
0xe: {  	[smem:$0x3FB0] =	sst s6  }
0xf: {  	[smem:$0x3FB1] =	sst s7  }
0x10: {  	[smem:$0x3FB2] =	sst s8  }
0x11: {  	[smem:$0x3FB3] =	sst s9;
	s0 =	simm.s32 @!p0 $0x0  }
0x12: {  	s1 =	sld [smem:$0x3F99];
	s0 =	simm.s32 @p0 $0x1  }
0x13: {  	[smem:$0x3FB4] =	sst s0;
	s0 =	simm.s32 @!p1 $0x0  }
0x14: {  	s2 =	sld [smem:$0x3F98];
	s0 =	simm.s32 @p1 $0x1  }
0x15: {  	[smem:$0x3FB5] =	sst s0;
	s0 =	simm.s32 @!p2 $0x0  }
0x16: {  	s3 =	sld [smem:$0x3FDB];
	s0 =	simm.s32 @p2 $0x1  }
0x17: {  	s4 =	simm.s32 $0x1BF5;
	[smem:$0x3FB7] =	sst s0  }
0x18: {  	s0 =	sld [smem:$0x3F9A];
	_ =	swait.ge [sflag:s4], $0x0  }
0x19: {  	s7 =	sld [smem:$0x3F9B]  }
0x1a: {  	s8 =	sadd.s32 $0xFFFFE003, lr  }
0x1b: {  	s9 =	sadd.s32 $0xFFFFFEF7, lr;
	s5 =	simm.s32 $0xFFFFFFFF;
	p2 =	slt.u32 s8, $0xFFFFF086  }
0x1c: {  	p1 =	slt.u32 s9, $0xF7A;
	s5 =	simm.s32 @!p2 $0x0  }
0x1d: {  	s5 =	simm.s32 @p1 $0x1;
	p0 =	seq.s32 s7, s2  }
0x1e: {  	s7 =	smul.u32 @!p0 $0xF7A, s2;
	p2 =	seq.s32 @!p0 s5, $0x0  }
0x1f: {  	s9 =	smul.u32 $0xF7A, s1;
	s8 =	simm.s32 @!p0 $0x1BF5;
	p2 =	por !p2, p0  }
0x20: {  	[sflag:s8] =	ssyncset.s32 @!p0 $0xFFFFF086;
	s6 =	sadd.s32 @!p0 s3, s7;
	s7 =	simm.s32 @!p0 $0x108  }
0x21: {  	s3 =	sadd.s32 s3, s9;
	s6 =	sadd.s32 @!p0 $0x88, s6;
	s7 =	simm.s32 @p2 $0x1082  }
0x22: {  	[simem:s7], [sflag:s8] =	dma.local @!p0 [hbm:s6], $0xF7A  }
0x23: {  	s9 =	sor.u32 $0xD0000000, s2;
	s6 =	simm.s32 $0x108;
	_ =	swait.ge @!p0 [sflag:s8], $0x0  }
0x24: {  	s3 =	sadd.s32 $0x88, s3;
	s6 =	simm.s32 @!p1 $0x1082;
	[sflag:s4] =	ssyncset.s32 $0xFFFFF086  }
0x25: {  	[simem:s6], [sflag:s4] =	dma.local [hbm:s3], $0xF7A  }
0x26: {  	[smem:$0x3F9B] =	sst s1;
	(tag) =	ssettag s2;
	_ =	strace s9  }
0x27: {  	s1 =	sld [smem:$0x3FAB]  }
0x28: {  	s2 =	sld [smem:$0x3FAC]  }
0x29: {  	s4 =	sld [smem:$0x3FAE]  }
0x2a: {  	p0 =	seq.s32 s5, $0x0;
	s5 =	sld [smem:$0x3FAF]  }
0x2b: {  	s6 =	sld [smem:$0x3FB0]  }
0x2c: {  	s7 =	sld [smem:$0x3FB1]  }
0x2d: {  	s3 =	simm.s32 $0x108;
	s8 =	sld [smem:$0x3FB2]  }
0x2e: {  	s3 =	simm.s32 @!p0 $0x1082;
	s9 =	sld [smem:$0x3FB3]  }
0x2f: {  	lr =	sadd.s32 s0, s3;
	s0 =	sld [smem:$0x3FAA]  }
0x30: {  	s3 =	sld [smem:$0x3FAD]  }
0x31: {  	[smem:$0x3FB6] =	sst s10  }
0x32: {  	s10 =	sld [smem:$0x3FB4];
	_ =	sdelay $0x3  }
0x33: {  	p0 =	seq.s32 s10, $0x1;
	s10 =	sld [smem:$0x3FB6];
	_ =	sdelay $0x3  }
0x34: {  	[smem:$0x3FB6] =	sst s10  }
0x35: {  	s10 =	sld [smem:$0x3FB5];
	_ =	sdelay $0x3  }
0x36: {  	p1 =	seq.s32 s10, $0x1;
	s10 =	sld [smem:$0x3FB6];
	_ =	sdelay $0x3  }
0x37: {  	[smem:$0x3FB6] =	sst s10  }
0x38: {  	s10 =	sld [smem:$0x3FB7]  }
0x39: {  	_ = 	snop;
	(pc) =	sbr.ind lr, $3  }
0x3a: {  	_ = 	snop  }
0x3b: {  	_ = 	snop  }
0x3c: {  	p2 =	seq.s32 s10, $0x1;
	s10 =	sld [smem:$0x3FB6]  }
0x3d: {  	_ =	shalt  }
0x3e: {  	_ =	shalt  }
0x3f: {  	_ =	shalt  }
0x40: {  	_ =	shalt  }
0x41: {  	_ =	shalt  }
0x42: {  	_ =	shalt  }
0x43: {  	_ =	shalt  }
0x44: {  	_ =	shalt  }
0x45: {  	_ =	shalt  }
0x46: {  	_ =	shalt  }
0x47: {  	_ =	shalt  }
0x48: {  	_ =	shalt  }
0x49: {  	_ =	shalt  }
0x4a: {  	_ =	shalt  }
0x4b: {  	_ =	shalt  }
0x4c: {  	_ =	shalt  }
0x4d: {  	_ =	shalt  }
0x4e: {  	_ =	shalt  }
0x4f: {  	_ =	shalt  }
0x50: {  	_ =	shalt  }
0x51: {  	_ =	shalt  }
0x52: {  	_ =	shalt  }
0x53: {  	_ =	shalt  }
0x54: {  	_ =	shalt  }
0x55: {  	_ =	shalt  }
0x56: {  	_ =	shalt  }
0x57: {  	_ =	shalt  }
0x58: {  	_ =	shalt  }
0x59: {  	_ =	shalt  }
0x5a: {  	_ =	shalt  }
0x5b: {  	_ =	shalt  }
0x5c: {  	_ =	shalt  }
0x5d: {  	_ =	shalt  }
0x5e: {  	_ =	shalt  }
0x5f: {  	_ =	shalt  }
0x60: {  	_ =	shalt  }
0x61: {  	_ =	shalt  }
0x62: {  	_ =	shalt  }
0x63: {  	_ =	shalt  }
0x64: {  	_ =	shalt  }
0x65: {  	_ =	shalt  }
0x66: {  	_ =	shalt  }
0x67: {  	_ =	shalt  }
0x68: {  	_ =	shalt  }
0x69: {  	_ =	shalt  }
0x6a: {  	_ =	shalt  }
0x6b: {  	_ =	shalt  }
0x6c: {  	_ =	shalt  }
0x6d: {  	_ =	shalt  }
0x6e: {  	_ =	shalt  }
0x6f: {  	_ =	shalt  }
0x70: {  	_ =	shalt  }
0x71: {  	_ =	shalt  }
0x72: {  	_ =	shalt  }
0x73: {  	_ =	shalt  }
0x74: {  	_ =	shalt  }
0x75: {  	_ =	shalt  }
0x76: {  	_ =	shalt  }
0x77: {  	_ =	shalt  }
0x78: {  	_ =	shalt  }
0x79: {  	_ =	shalt  }
0x7a: {  	_ =	shalt  }
0x7b: {  	_ =	shalt  }
0x7c: {  	_ =	shalt  }
0x7d: {  	_ =	shalt  }
0x7e: {  	_ =	shalt  }
0x7f: {  	_ =	shalt  }
0x80: {  	_ =	shalt  }
0x81: {  	_ =	shalt  }
0x82: {  	_ =	shalt  }
0x83: {  	_ =	shalt  }
0x84: {  	_ =	shalt  }
0x85: {  	_ =	shalt  }
0x86: {  	_ =	shalt  }
0x87: {  	_ =	shalt  }
.Lfunc_end0:
.L_simem_size_0:
called_computation_lowered:
.L_overlay_start_0:
0x88: {  	s2 =	sld [smem:$0x3FD9]  }
0x89: {  	s3 =	sld [smem:$0x3FFE];
	_ =	sdelay $0x1  }
0x8a: {  	s1 =	srdreg.scid  }
0x8b: {  	s0 =	sand.u32 $0x1, s1  }
0x8c: {  	s16 =	sshll.u32 s0, $0xA;
	s2 =	sadd.s32 s3, s2  }
0x8d: {  	s2 =	sadd.s32 s2, s16  }
0x8e: {  	[smem:$0x3FC2] =	sst s2  }
0x8f: {  	_ = 	snop  }
0x90: {  	(tm) =	ssettm $0x1  }
0x91: {  	s17 =	sld [smem:$0x3FFB];
	_ =	sdelay $0x3  }
0x92: {  	_ =	strace s17  }
0x93: {  	s2 =	sld [smem:$0x3FFC];
	_ =	sdelay $0x3  }
0x94: {  	_ =	strace s2  }
0x95: {  	s2 =	sld [smem:$0x3FFD];
	_ =	sdelay $0x3  }
0x96: {  	_ =	strace s2  }
0x97: {  	_ =	strace $0x8FFFFFFF  }
0x98: {  	s18 =	sld [smem:$0x3FDB];
	_ =	sdelay $0x1  }
0x99: {  	s19 =	simm.s32 $_scs_section_size  }
0x9a: {  	s4 =	simm.s32 $_size__tile_overlayer_lowered;
	s5 =	simm.s32 $_tile_overlayer_lowered  }
0x9b: {  	s22 =	simm.s32 $0x1BFF;
	s21 =	sshll.u32 s5, $0x1;
	s2 =	sadd.s32 s19, s18  }
0x9c: {  	s6 =	simm.s32 $0x0;
	s20 =	sshll.u32 s4, $0x1;
	s4 =	sadd.s32 s21, s2  }
0x9d: {  	[timem:s6], [sflag:s22] =	dma.local [hbm:s4], s20  }
0x9e: {  	_ =	swait.ge [sflag:s22], s20  }
0x9f: {  	s3 =	ssub.s32 $0x0, s20;
	[sflag:s22] =	ssyncset.done $0x0  }
0xa0: {  	[sflag:s22] =	ssyncadd.s32 s3;
	_ =	sdelay $0x1  }
0xa1: {  	s23 =	simm.s32 $0x1B8B  }
0xa2: {  	_ =	swait.ge [sflag:s23], $0x1  }
0xa3: {  	[sflag:s23] =	ssyncset.done $0x0  }
0xa4: {  	s25 =	simm.s32 $0x1B8E;
	s24 =	sld [smem:$0x3FFE];
	[sflag:s23] =	ssyncadd.s32 $0xFFFFFFFF  }
0xa5: {  	s26 =	simm.s32 $execute0_lowered;
	[smem:$0x3FD2] =	sst s25  }
0xa6: {  	s4 =	sshll.u32 s26, $0x1;
	_ =	strace $0x80000046;
	[dreg:$0x1] =	wrdreg $0xFFFFFFFF  }
0xa7: {  	s28 =	simm.s32 $_size_execute0_lowered;
	s2 =	sadd.s32 s2, s4;
	[dreg:$0x0] =	wrdreg $0x0  }
0xa8: {  	s4 =	sshll.u32 s28, $0x1;
	[dreg:$0x2] =	wrdreg s2  }
0xa9: {  	[dreg:$0x3] =	wrdreg s4  }
0xaa: {  	[dreg:$0x4] =	wrdreg $0xC0  }
0xab: {  	_ =	task [dreg:s6], $0x5FFFF  }
0xac: {  	[dreg:$0x1] =	wrdreg $0xFFFFFFFF  }
0xad: {  	[dreg:$0x0] =	wrdreg $0x60  }
0xae: {  	[dreg:$0x2] =	wrdreg s24  }
0xaf: {  	[dreg:$0x3] =	wrdreg $0x94000  }
0xb0: {  	[dreg:$0x4] =	wrdreg $0x9  }
0xb1: {  	_ =	task.clear_ibuf [dreg:s6], $0x5FFFF;
	_ =	strace $0x90000046  }
0xb2: {  	s29 =	simm.s32 $0x9;
	_ =	strace $0x80000048  }
0xb3: {  	_ =	swait.ge [sflag:s29], $0x1  }
0xb4: {  	[sflag:s29] =	ssyncadd.s32 $0xFFFFFFFF  }
0xb5: {  	_ =	strace $0x90000048  }
0xb6: {  	_ =	sfence  }
0xb7: {  	s30 =	sld [smem:$0x0];
	_ =	sdelay $0x2  }
0xb8: {  	s31 =	sshll.u32 s1, $0xD;
	s1 =	sshrl.u32 s1, $0x2  }
0xb9: {  	s3 =	sand.u32 $0x4000, s31;
	s1 =	sadd.s32 s1, s30  }
0xba: {  	s0 =	sor.u32 s3, s0;
	s1 =	sshll.u32 s1, $0x11  }
0xbb: {  	s0 =	sor.u32 s1, s0  }
0xbc: {  	s0 =	sadd.s32 $0x8F2B, s0  }
0xbd: {  	[sflag:s0] =	ssyncadd.remote.s32 $0x1  }
0xbe: {  	_ =	sfence.sel $0xFFFF  }
0xbf: {  	[dreg:$0x0] =	wrdreg $0xFFFFFFFF;
	(pc) =	sbr.abs _section_cstart, $3  }
0xc0: {  	[dreg:$0x1] =	wrdreg $0xFFFFFFFF  }
0xc1: {  	_ =	task.clear_ibuf [dreg:s6], $0x2FFFF;
	_ =	strace $0x9FFFFFFF  }
0xc2: {  	(tm) =	ssettm $0x7FFFFFFF  }
0xc3: {  	_ =	shalt  }
tec
execute0_lowered:
.L_overlay_start_1:
0x0: {  	(tag) =	ssettag $0x1  }
0x1: {  	s0 =	srdreg.scid;
	s5 =	rddreg [dreg:$0x0]  }
0x2: {  	s2 =	rddreg [dreg:$0x1];
	s3 =	simm.s32 $0x0;
	s12 =	simm.s32 $0x1  }
0x3: {  	s13 =	simm.s32 $0x5400;
	s4 =	sand.u32 $0x1, s0;
	s0 =	stileid.u32  }
0x4: {  	s14 =	simm.s32 $0x80;
	s15 =	simm.s32 $0x1400;
	s7 =	smul.u32 $0x2800, s0  }
0x5: {  	s18 =	simm.s32 $0x0;
	[smem:$0x7FF] =	sst s3;
	s8 =	smul.u32 $0x28000, s4  }
0x6: {  	s1 =	sshll.u32 s4, $0x4;
	s9 =	smul.u32 $0x50000, s0;
	s4 =	ssub.s32 $0x2, s4  }
0x7: {  	s16 =	sshll.u32 s0, $0x6;
	s1 =	sor.u32 s0, s1;
	s31 =	sshrl.u32 s4, $0x1  }
0x8: {  	s16 =	sor.u32 $0x1C01, s16;
	s6 =	smul.u32 $0x280, s1;
	s1 =	rddreg [dreg:$0x2]  }
0x9: {  	_ =	strace $0x80000047;
	s7 =	sadd.s32 s7, s8;
	s9 =	sshrl.u32 s9, $0x2  }
0xa: {  	s11 =	ssub.s32 s4, s31;
	s10 =	sadd.s32 s7, s5;
	s4 =	sadd.s32 s9, s2  }
0xb: {  	s11 =	smax.u32 s11, $0x1;
	s6 =	sadd.s32 s6, s5;
	s7 =	sadd.s32 $0x8000, s4  }
0xc: {  	s8 =	sadd.s32 $0xC000, s4;
	s9 =	sadd.s32 $0x10000, s4;
	s10 =	sadd.s32 $0x6600, s10  }
0xd: {  	v0 =	vimm.f32 $1.000000000e+00;
	v1 =	vimm.f32 $0.0e+00;
	s17 =	sshrl.u32 s4, $0x3;
	s5 =	sadd.s32 $0x1600, s6;
	s6 =	sadd.s32 $0x4000, s4  }
.LBB2_1:
0xe: {  	[tilespmem:s3], [sflag:$0x1] =	stream.linear.gather [hbm4b:s5+s3], $0x1400, $0x38;
	[tilespmem:$0xBC00] =	vst v63  }
0xf: {  	_ =	swait.ge [sflag:s12], $0x1400  }
0x10: {  	[sflag:s12] =	ssyncset.done $0x0  }
0x11: {  	s19 =	simm.s32 $0x200;
	s20 =	simm.s32 $0x0;
	[sflag:s12] =	ssyncadd.s32 $0xFFFFEC00  }
.LBB2_2:
0x12: {  	p0 =	sne.s32 s19, $0xFE00;
	[tilespmem:s20+$0x1400] =	vst v0;
	s21 =	smov.u32 s19;
	s19 =	sadd.s32 $0x200, s19  }
.Ltmp0:
0x13: {  	[tilespmem:s20+$0x5400] =	vst v1;
	(pc) =	sbr.rel @p0 .LBB2_2-.Ltmp0, $2  }
0x14: {  	_ =	sdelay $0x2  }
0x15: {  	s20 =	sshra.s32 s21, $0x2  }
0x16: {  	[tilespmem:s20+$0x1400] =	vst v0  }
0x17: {  	[tilespmem:s20+$0x5400] =	vst v1  }
0x18: {  	[spmem:s4] =	stream.linear.scatter [tilespmem:s13], [sflag:$0x1], $0x4000, $0x38;
	[tilespmem:$0xBC00] =	vst v63  }
0x19: {  	_ =	swait.ge [sflag:s12], $0x4000  }
0x1a: {  	[sflag:s12] =	ssyncset.done $0x0  }
0x1b: {  	[sflag:s12] =	ssyncadd.s32 $0xFFFFC000  }
0x1c: {  	[spmem:s6] =	stream.linear.scatter [tilespmem:s13], [sflag:$0x1], $0x4000, $0x38;
	[tilespmem:$0xBC00] =	vst v63  }
0x1d: {  	_ =	swait.ge [sflag:s12], $0x4000  }
0x1e: {  	[sflag:s12] =	ssyncset.done $0x0  }
0x1f: {  	[sflag:s12] =	ssyncadd.s32 $0xFFFFC000  }
0x20: {  	[spmem:s7] =	stream.linear.scatter [tilespmem:s13], [sflag:$0x1], $0x4000, $0x38;
	[tilespmem:$0xBC00] =	vst v63  }
0x21: {  	_ =	swait.ge [sflag:s12], $0x4000  }
0x22: {  	[sflag:s12] =	ssyncset.done $0x0  }
0x23: {  	[sflag:s12] =	ssyncadd.s32 $0xFFFFC000  }
0x24: {  	[spmem:s8] =	stream.linear.scatter [tilespmem:s13], [sflag:$0x1], $0x4000, $0x38;
	[tilespmem:$0xBC00] =	vst v63  }
0x25: {  	_ =	swait.ge [sflag:s12], $0x4000  }
0x26: {  	[sflag:s12] =	ssyncset.done $0x0  }
0x27: {  	[sflag:s12] =	ssyncadd.s32 $0xFFFFC000  }
0x28: {  	[spmem:s9] =	stream.linear.scatter [tilespmem:s13], [sflag:$0x1], $0x4000, $0x38;
	[tilespmem:$0xBC00] =	vst v63  }
0x29: {  	_ =	swait.ge [sflag:s12], $0x4000  }
0x2a: {  	[sflag:s12] =	ssyncset.done $0x0  }
0x2b: {  	[sflag:s12] =	ssyncadd.s32 $0xFFFFC000  }
0x2c: {  	s19 =	simm.s32 $0x0;
	[bflag:$0x0] =	sbarrier.arrive $0xFFFF  }
0x2d: {  	[spmem:s2] =	stream.indirect.scatter.add.f32 [tilespmem:s15], [sflag:$0x1], $0x10, s19, s14, $0xb8;
	[tilespmem:$0xBC00] =	vst v63  }
0x2e: {  	_ =	swait.ge [sflag:s12], $0x800  }
0x2f: {  	s19 =	simm.s32 $0x200;
	[sflag:s12] =	ssyncset.done $0x0  }
.LBB2_4:
0x30: {  	s20 =	sshra.s32 s19, $0x2;
	[sflag:s12] =	ssyncadd.s32 $0xFFFFF800;
	p0 =	sne.s32 s19, $0x4E00  }
0x31: {  	[spmem:s2] =	stream.indirect.scatter.add.f32 [tilespmem:s15], [sflag:$0x1], $0x10, s20, s14, $0xb8;
	[tilespmem:$0xBC00] =	vst v63  }
.Ltmp1:
0x32: {  	_ = 	snop;
	(pc) =	sbr.rel @p0 .LBB2_4-.Ltmp1, $4  }
0x33: {  	_ = 	snop  }
0x34: {  	s19 =	sadd.s32 $0x200, s19  }
0x35: {  	_ =	swait.ge [sflag:s12], $0x800  }
0x36: {  	[sflag:s12] =	ssyncset.done $0x0  }
0x37: {  	s18 =	sadd.s32 $0x1, s18  }
0x38: {  	[sflag:s12] =	ssyncadd.s32 $0xFFFFF800;
	p0 =	sne.s32 s18, s11  }
.Ltmp2:
0x39: {  	[bflag:$0x0] =	sbarrier.arrive $0xFFFF;
	(pc) =	sbr.rel @p0 .LBB2_1-.Ltmp2, $4  }
0x3a: {  	[hbm:s10], [sflag:s16] =	dma.local [spmem:s17], $0x2800  }
0x3b: {  	_ =	swait.ge [sflag:s12], $0x2800  }
0x3c: {  	[sflag:s12] =	ssyncset.done $0x0  }
0x3d: {  	[sflag:s12] =	ssyncadd.s32 $0xFFFFD800  }
0x3e: {  	_ =	sfence.sel $0x180000  }
0x3f: {  	[bflag:$0x0] =	sbarrier.arrive $0xFFFF  }
0x40: {  	p0 =	sne.s32 s0, $0x0;
	_ =	strace $0x90000047  }
0x41: {  	s0 =	sadd.s32 @!p0 $0x100000, s1;
	[bflag:$0x2] =	sbarrier.arrive $0xFFFF  }
0x42: {  	[sflag:s0] =	ssyncadd.tile.s32 @!p0 $0x1;
	_ =	shalt  }
.Lfunc_end2:
_tile_overlayer_lowered:
.L_overlay_start_2:
0x43: {  	(tag) =	ssettag $0x2  }
0x44: {  	s0 =	rddreg [dreg:$0x0];
	s2 =	stileid.u32  }
0x45: {  	s1 =	rddreg [dreg:$0x1];
	p0 =	sne.s32 s2, $0x0  }
0x46: {  	s3 =	rddreg [dreg:$0x2];
	[bflag:$0x3] =	sbarrier.arrive $0xFFFF;
	s2 =	simm.s32 @!p0 $0x1C01  }
0x47: {  	[timem:s3], [sflag:s2] =	dma.local @!p0 [hbm:s0], s1  }
0x48: {  	s0 =	simm.s32 @!p0 $0x1  }
0x49: {  	_ =	swait.ge @!p0 [sflag:s0], s1  }
0x4a: {  	s1 =	ssub.s32 @!p0 $0x0, s1;
	[sflag:s0] =	ssyncset.done @!p0 $0x0  }
0x4b: {  	[sflag:s0] =	ssyncadd.s32 @!p0 s1  }
0x4c: {  	[bflag:$0x3] =	sbarrier.arrive $0xFFFF  }
0x4d: {  	_ =	shalt  }

</sc_bundles>
